<compile_context>
chip_gen: v7x
topology: tpu7x:2x2x1
jax: 0.10.2.dev20260603
libtpu: 0.0.44.dev20260713+nightly
codegen_flags: <defaults>
</compile_context>

<pallas_src>
import functools

import jax
import jax.numpy as jnp
from jax import lax
from jax.experimental import pallas as pl
from jax.experimental.pallas import tpu as pltpu
from jax.experimental.pallas import tpu_sc as plsc

EMBED_DIM = 128
BATCH = 16384

_NC = 2
_NS = 16
_NW = _NC * _NS
_B_PER_W = BATCH // _NW
_CHUNK = 64
_K = _B_PER_W // _CHUNK

_mesh = plsc.VectorSubcoreMesh(
    core_axis_name="c", subcore_axis_name="s",
    num_cores=_NC, num_subcores=_NS,
)


@functools.partial(
    pl.kernel,
    out_type=jax.ShapeDtypeStruct((_NW, _K, _CHUNK, EMBED_DIM), jnp.float32),
    mesh=_mesh,
    scratch_types=[
        pltpu.VMEM((_B_PER_W,), jnp.int32),
        pltpu.VMEM((_K, _CHUNK, EMBED_DIM), jnp.float32),
        pltpu.VMEM_SHARED((1000, EMBED_DIM), jnp.float32),
        pltpu.SemaphoreType.DMA((_K,)),
        pltpu.SemaphoreType.DMA,
    ],
)
def _gather(t_hbm, table_hbm, out_hbm, idx_v, rows_v, tab_sh, gsems, ssem):
    cid = lax.axis_index("c")
    sid = lax.axis_index("s")
    wid = sid * _NC + cid
    pltpu.sync_copy(t_hbm.at[pl.ds(wid * _B_PER_W, _B_PER_W)], idx_v)

    @pl.when(sid < 15)
    def _stage():
        pltpu.sync_copy(
            table_hbm.at[pl.ds(sid * 64, 64)],
            tab_sh.at[pl.ds(sid * 64, 64)],
        )

    @pl.when(sid == 15)
    def _stage_tail():
        pltpu.sync_copy(
            table_hbm.at[pl.ds(960, 40)],
            tab_sh.at[pl.ds(960, 40)],
        )

    plsc.subcore_barrier()
    gathers = [
        pltpu.async_copy(tab_sh.at[idx_v.at[pl.ds(j * _CHUNK, _CHUNK)]],
                         rows_v.at[j], gsems.at[j])
        for j in range(_K)
    ]
    stores = []
    for j in range(_K):
        gathers[j].wait()
        stores.append(pltpu.async_copy(rows_v.at[j], out_hbm.at[wid].at[j], ssem))
    for c in stores:
        c.wait()


def kernel(t, embeddings):
    out = _gather(t, embeddings)
    return out.reshape(BATCH, EMBED_DIM)

# --- scband reference (transcript-rebuilt; emitter-appended) ---
"""Pipeline reference for scband-timestep-encoding-10136122819095 (READ-ONLY COPY).

The authoritative reference and input builder live on the scoring server;
editing this copy changes nothing except your own understanding.
"""

import jax, jax.numpy as jnp
import numpy as np
import math

EMBED_DIM = 128
TIME_STEPS = 1000
BATCH = 16384

def build_embeddings():
    positions = jnp.arange(TIME_STEPS, dtype=jnp.float32)[:, None]
    div = jnp.exp(jnp.arange(0, EMBED_DIM, 2, dtype=jnp.float32) * -(math.log(10000.0) / EMBED_DIM))
    emb = jnp.zeros((TIME_STEPS, EMBED_DIM), dtype=jnp.float32)
    emb = emb.at[:, 0::2].set(jnp.sin(positions * div))
    emb = emb.at[:, 1::2].set(jnp.cos(positions * div))
    return emb

def setup_inputs(seed: int = 0) -> dict:
    key = jax.random.key(seed)
    t = jax.random.randint(key, (BATCH,), 0, TIME_STEPS, dtype=jnp.int64 if jax.config.read('jax_enable_x64') else jnp.int32)
    embeddings = build_embeddings()
    return {"t": t, "embeddings": embeddings}

def reference(t, embeddings):
    # Faithful translation of TimestepEncoding.forward: gather rows of the
    # precomputed sinusoidal table at the given timesteps.
    return jnp.take(embeddings, t, axis=0)

if __name__ == "__main__":
    import jax
    _d = setup_inputs()
    print(jax.jit(kernel)(*tuple(_d.values())))

</pallas_src>

<mosaic_0001>
#map = affine_map<(d0, d1) -> (0)>
#map1 = affine_map<(d0, d1) -> (0, 0)>
#map2 = affine_map<(d0, d1) -> (0, 0, 0, 0)>
module attributes {stable_mosaic.version = 14 : i64} {
  func.func @_gather(%arg0: i32, %arg1: i32, %arg2: memref<16384xi32, #tpu.memory_space<hbm>>, %arg3: memref<1000x128xf32, #tpu.memory_space<hbm>>, %arg4: memref<32x8x64x128xf32, #tpu.memory_space<hbm>>, %arg5: memref<512xi32, #tpu.memory_space<vmem>>, %arg6: memref<8x64x128xf32, #tpu.memory_space<vmem>>, %arg7: memref<1000x128xf32, #tpu.memory_space<vmem_shared>>, %arg8: memref<8x!tpu.dma_semaphore, #tpu.memory_space<semaphore_mem>>, %arg9: memref<!tpu.dma_semaphore, #tpu.memory_space<semaphore_mem>>) attributes {dimension_semantics = [#tpu.dimension_semantics<core_parallel>, #tpu.dimension_semantics<subcore_parallel>], iteration_bounds = array<i64: 2, 16>, scalar_prefetch = 0 : i64, scratch_operands = 5 : i64, tpu.core_type = #tpu.core_type<sc_vector_subcore>, window_params = [{transform_indices = #map}, {transform_indices = #map1}, {transform_indices = #map2}]} {
    %mul3A = arith.constant 2 : i32
    %mul3A_0 = arith.muli %arg1, %mul3A : i32
    %add3A = arith.addi %mul3A_0, %arg0 : i32
    %mul3A_1 = arith.constant 512 : i32
    %mul3A_2 = arith.muli %add3A, %mul3A_1 : i32
    "tpu.region"() ({
      %run_scoped3A = tpu.sem_alloc : memref<!tpu.dma_semaphore, #tpu.memory_space<semaphore_mem>>
      %dma_start3A_663 = tpu.memref_slice %arg2[%mul3A_2] : memref<16384xi32, #tpu.memory_space<hbm>> -> memref<512xi32, #tpu.memory_space<hbm>>
      %dma_start3A_664 = tpu.memref_slice %arg2[%mul3A_2] : memref<16384xi32, #tpu.memory_space<hbm>> -> memref<512xi32, #tpu.memory_space<hbm>>
      tpu.enqueue_dma source(%dma_start3A_664 : memref<512xi32, #tpu.memory_space<hbm>>) target(%arg5 : memref<512xi32, #tpu.memory_space<vmem>>) target_semaphore(%run_scoped3A : memref<!tpu.dma_semaphore, #tpu.memory_space<semaphore_mem>>)
      %dma_wait3A_665 = tpu.memref_slice %arg2[%mul3A_2] : memref<16384xi32, #tpu.memory_space<hbm>> -> memref<512xi32, #tpu.memory_space<hbm>>
      %dma_wait3A_666 = tpu.memref_slice %arg2[%mul3A_2] : memref<16384xi32, #tpu.memory_space<hbm>> -> memref<512xi32, #tpu.memory_space<hbm>>
      tpu.wait_dma2 semaphore(%run_scoped3A : memref<!tpu.dma_semaphore, #tpu.memory_space<semaphore_mem>>) src(%dma_wait3A_666 : memref<512xi32, #tpu.memory_space<hbm>>) dst(%arg5 : memref<512xi32, #tpu.memory_space<vmem>>)
      tpu.yield
    }) : () -> ()
    %lt3A = arith.constant 15 : i32
    %lt3A_3 = arith.cmpi slt, %arg1, %lt3A : i32
    %convert_element_type3A = arith.extui %lt3A_3 : i1 to i32
    %cond3A = arith.constant 0 : i32
    %cond3A_4 = arith.cmpi ne, %convert_element_type3A, %cond3A : i32
    scf.if %cond3A_4 {
      %mul3A_663 = arith.constant 64 : i32
      %mul3A_664 = arith.muli %arg1, %mul3A_663 : i32
      %mul3A_665 = arith.constant 64 : i32
      %mul3A_666 = arith.muli %arg1, %mul3A_665 : i32
      "tpu.region"() ({
        %run_scoped3A = tpu.sem_alloc : memref<!tpu.dma_semaphore, #tpu.memory_space<semaphore_mem>>
        %dma_start3A_667 = arith.constant 0 : i32
        %dma_start3A_668 = tpu.memref_slice %arg7[%mul3A_666, %dma_start3A_667] : memref<1000x128xf32, #tpu.memory_space<vmem_shared>> -> memref<64x128xf32, #tpu.memory_space<vmem_shared>>
        %dma_start3A_669 = arith.constant 0 : i32
        %dma_start3A_670 = tpu.memref_slice %arg3[%mul3A_664, %dma_start3A_669] : memref<1000x128xf32, #tpu.memory_space<hbm>> -> memref<64x128xf32, #tpu.memory_space<hbm>>
        tpu.enqueue_dma source(%dma_start3A_670 : memref<64x128xf32, #tpu.memory_space<hbm>>) target(%dma_start3A_668 : memref<64x128xf32, #tpu.memory_space<vmem_shared>>) target_semaphore(%run_scoped3A : memref<!tpu.dma_semaphore, #tpu.memory_space<semaphore_mem>>)
        %dma_wait3A_671 = arith.constant 0 : i32
        %dma_wait3A_672 = tpu.memref_slice %arg7[%mul3A_666, %dma_wait3A_671] : memref<1000x128xf32, #tpu.memory_space<vmem_shared>> -> memref<64x128xf32, #tpu.memory_space<vmem_shared>>
        %dma_wait3A_673 = arith.constant 0 : i32
        %dma_wait3A_674 = tpu.memref_slice %arg3[%mul3A_664, %dma_wait3A_673] : memref<1000x128xf32, #tpu.memory_space<hbm>> -> memref<64x128xf32, #tpu.memory_space<hbm>>
        tpu.wait_dma2 semaphore(%run_scoped3A : memref<!tpu.dma_semaphore, #tpu.memory_space<semaphore_mem>>) src(%dma_wait3A_674 : memref<64x128xf32, #tpu.memory_space<hbm>>) dst(%dma_wait3A_672 : memref<64x128xf32, #tpu.memory_space<vmem_shared>>)
        tpu.yield
      }) : () -> ()
    } else {
    }
    %eq3A = arith.constant 15 : i32
    %eq3A_5 = arith.cmpi eq, %arg1, %eq3A : i32
    %convert_element_type3A_6 = arith.extui %eq3A_5 : i1 to i32
    %cond3A_7 = arith.constant 0 : i32
    %cond3A_8 = arith.cmpi ne, %convert_element_type3A_6, %cond3A_7 : i32
    scf.if %cond3A_8 {
      "tpu.region"() ({
        %run_scoped3A = tpu.sem_alloc : memref<!tpu.dma_semaphore, #tpu.memory_space<semaphore_mem>>
        %dma_start3A_663 = arith.constant 960 : i32
        %dma_start3A_664 = arith.constant 0 : i32
        %dma_start3A_665 = tpu.memref_slice %arg7[%dma_start3A_663, %dma_start3A_664] : memref<1000x128xf32, #tpu.memory_space<vmem_shared>> -> memref<40x128xf32, #tpu.memory_space<vmem_shared>>
        %dma_start3A_666 = arith.constant 960 : i32
        %dma_start3A_667 = arith.constant 0 : i32
        %dma_start3A_668 = tpu.memref_slice %arg3[%dma_start3A_666, %dma_start3A_667] : memref<1000x128xf32, #tpu.memory_space<hbm>> -> memref<40x128xf32, #tpu.memory_space<hbm>>
        tpu.enqueue_dma source(%dma_start3A_668 : memref<40x128xf32, #tpu.memory_space<hbm>>) target(%dma_start3A_665 : memref<40x128xf32, #tpu.memory_space<vmem_shared>>) target_semaphore(%run_scoped3A : memref<!tpu.dma_semaphore, #tpu.memory_space<semaphore_mem>>)
        %dma_wait3A_669 = arith.constant 960 : i32
        %dma_wait3A_670 = arith.constant 0 : i32
        %dma_wait3A_671 = tpu.memref_slice %arg7[%dma_wait3A_669, %dma_wait3A_670] : memref<1000x128xf32, #tpu.memory_space<vmem_shared>> -> memref<40x128xf32, #tpu.memory_space<vmem_shared>>
        %dma_wait3A_672 = arith.constant 960 : i32
        %dma_wait3A_673 = arith.constant 0 : i32
        %dma_wait3A_674 = tpu.memref_slice %arg3[%dma_wait3A_672, %dma_wait3A_673] : memref<1000x128xf32, #tpu.memory_space<hbm>> -> memref<40x128xf32, #tpu.memory_space<hbm>>
        tpu.wait_dma2 semaphore(%run_scoped3A : memref<!tpu.dma_semaphore, #tpu.memory_space<semaphore_mem>>) src(%dma_wait3A_674 : memref<40x128xf32, #tpu.memory_space<hbm>>) dst(%dma_wait3A_671 : memref<40x128xf32, #tpu.memory_space<vmem_shared>>)
        tpu.yield
      }) : () -> ()
    } else {
    }
    %barrier3A = arith.constant 0 : index
    tpu.barrier barrier_id(%barrier3A)
    %dma_start3A = arith.constant 0 : i32
    %dma_start3A_9 = arith.constant 0 : i32
    %dma_start3A_10 = arith.constant 0 : i32
    %dma_start3A_11 = arith.constant 0 : i32
    %dma_start3A_12 = tpu.memref_slice %arg6[%dma_start3A, %dma_start3A_10, %dma_start3A_11] : memref<8x64x128xf32, #tpu.memory_space<vmem>> -> memref<1x64x128xf32, #tpu.memory_space<vmem>>
    %dma_start3A_13 = tpu.memref_squeeze %dma_start3A_12 : memref<1x64x128xf32, #tpu.memory_space<vmem>> -> memref<64x128xf32, #tpu.memory_space<vmem>>
    %dma_start3A_14 = arith.constant 0 : i32
    %dma_start3A_15 = tpu.memref_slice %arg5[%dma_start3A_14] : memref<512xi32, #tpu.memory_space<vmem>> -> memref<64xi32, #tpu.memory_space<vmem>>
    %dma_start3A_16 = arith.constant 0 : i32
    %dma_start3A_17 = arith.constant 0 : i32
    %dma_start3A_18 = tpu.memref_slice %arg7[%dma_start3A_16, %dma_start3A_17] : memref<1000x128xf32, #tpu.memory_space<vmem_shared>> -> memref<1000x128xf32, #tpu.memory_space<vmem_shared>>
    %dma_start3A_19 = tpu.memref_slice %arg8[%dma_start3A_9] : memref<8x!tpu.dma_semaphore, #tpu.memory_space<semaphore_mem>> -> memref<1x!tpu.dma_semaphore, #tpu.memory_space<semaphore_mem>>
    %dma_start3A_20 = tpu.memref_squeeze %dma_start3A_19 : memref<1x!tpu.dma_semaphore, #tpu.memory_space<semaphore_mem>> -> memref<!tpu.dma_semaphore, #tpu.memory_space<semaphore_mem>>
    tpu.enqueue_indirect_dma source(%dma_start3A_18 : memref<1000x128xf32, #tpu.memory_space<vmem_shared>>) target(%dma_start3A_13 : memref<64x128xf32, #tpu.memory_space<vmem>>) offsets(%dma_start3A_15 : memref<64xi32, #tpu.memory_space<vmem>>) semaphore(%dma_start3A_20 : memref<!tpu.dma_semaphore, #tpu.memory_space<semaphore_mem>>)
    %dma_start3A_21 = arith.constant 1 : i32
    %dma_start3A_22 = arith.constant 1 : i32
    %dma_start3A_23 = arith.constant 0 : i32
    %dma_start3A_24 = arith.constant 0 : i32
    %dma_start3A_25 = tpu.memref_slice %arg6[%dma_start3A_21, %dma_start3A_23, %dma_start3A_24] : memref<8x64x128xf32, #tpu.memory_space<vmem>> -> memref<1x64x128xf32, #tpu.memory_space<vmem>>
    %dma_start3A_26 = tpu.memref_squeeze %dma_start3A_25 : memref<1x64x128xf32, #tpu.memory_space<vmem>> -> memref<64x128xf32, #tpu.memory_space<vmem>>
    %dma_start3A_27 = arith.constant 64 : i32
    %dma_start3A_28 = tpu.memref_slice %arg5[%dma_start3A_27] : memref<512xi32, #tpu.memory_space<vmem>> -> memref<64xi32, #tpu.memory_space<vmem>>
    %dma_start3A_29 = arith.constant 0 : i32
    %dma_start3A_30 = arith.constant 0 : i32
    %dma_start3A_31 = tpu.memref_slice %arg7[%dma_start3A_29, %dma_start3A_30] : memref<1000x128xf32, #tpu.memory_space<vmem_shared>> -> memref<1000x128xf32, #tpu.memory_space<vmem_shared>>
    %dma_start3A_32 = tpu.memref_slice %arg8[%dma_start3A_22] : memref<8x!tpu.dma_semaphore, #tpu.memory_space<semaphore_mem>> -> memref<1x!tpu.dma_semaphore, #tpu.memory_space<semaphore_mem>>
    %dma_start3A_33 = tpu.memref_squeeze %dma_start3A_32 : memref<1x!tpu.dma_semaphore, #tpu.memory_space<semaphore_mem>> -> memref<!tpu.dma_semaphore, #tpu.memory_space<semaphore_mem>>
    tpu.enqueue_indirect_dma source(%dma_start3A_31 : memref<1000x128xf32, #tpu.memory_space<vmem_shared>>) target(%dma_start3A_26 : memref<64x128xf32, #tpu.memory_space<vmem>>) offsets(%dma_start3A_28 : memref<64xi32, #tpu.memory_space<vmem>>) semaphore(%dma_start3A_33 : memref<!tpu.dma_semaphore, #tpu.memory_space<semaphore_mem>>)
    %dma_start3A_34 = arith.constant 2 : i32
    %dma_start3A_35 = arith.constant 2 : i32
    %dma_start3A_36 = arith.constant 0 : i32
    %dma_start3A_37 = arith.constant 0 : i32
    %dma_start3A_38 = tpu.memref_slice %arg6[%dma_start3A_34, %dma_start3A_36, %dma_start3A_37] : memref<8x64x128xf32, #tpu.memory_space<vmem>> -> memref<1x64x128xf32, #tpu.memory_space<vmem>>
    %dma_start3A_39 = tpu.memref_squeeze %dma_start3A_38 : memref<1x64x128xf32, #tpu.memory_space<vmem>> -> memref<64x128xf32, #tpu.memory_space<vmem>>
    %dma_start3A_40 = arith.constant 128 : i32
    %dma_start3A_41 = tpu.memref_slice %arg5[%dma_start3A_40] : memref<512xi32, #tpu.memory_space<vmem>> -> memref<64xi32, #tpu.memory_space<vmem>>
    %dma_start3A_42 = arith.constant 0 : i32
    %dma_start3A_43 = arith.constant 0 : i32
    %dma_start3A_44 = tpu.memref_slice %arg7[%dma_start3A_42, %dma_start3A_43] : memref<1000x128xf32, #tpu.memory_space<vmem_shared>> -> memref<1000x128xf32, #tpu.memory_space<vmem_shared>>
    %dma_start3A_45 = tpu.memref_slice %arg8[%dma_start3A_35] : memref<8x!tpu.dma_semaphore, #tpu.memory_space<semaphore_mem>> -> memref<1x!tpu.dma_semaphore, #tpu.memory_space<semaphore_mem>>
    %dma_start3A_46 = tpu.memref_squeeze %dma_start3A_45 : memref<1x!tpu.dma_semaphore, #tpu.memory_space<semaphore_mem>> -> memref<!tpu.dma_semaphore, #tpu.memory_space<semaphore_mem>>
    tpu.enqueue_indirect_dma source(%dma_start3A_44 : memref<1000x128xf32, #tpu.memory_space<vmem_shared>>) target(%dma_start3A_39 : memref<64x128xf32, #tpu.memory_space<vmem>>) offsets(%dma_start3A_41 : memref<64xi32, #tpu.memory_space<vmem>>) semaphore(%dma_start3A_46 : memref<!tpu.dma_semaphore, #tpu.memory_space<semaphore_mem>>)
    %dma_start3A_47 = arith.constant 3 : i32
    %dma_start3A_48 = arith.constant 3 : i32
    %dma_start3A_49 = arith.constant 0 : i32
    %dma_start3A_50 = arith.constant 0 : i32
    %dma_start3A_51 = tpu.memref_slice %arg6[%dma_start3A_47, %dma_start3A_49, %dma_start3A_50] : memref<8x64x128xf32, #tpu.memory_space<vmem>> -> memref<1x64x128xf32, #tpu.memory_space<vmem>>
    %dma_start3A_52 = tpu.memref_squeeze %dma_start3A_51 : memref<1x64x128xf32, #tpu.memory_space<vmem>> -> memref<64x128xf32, #tpu.memory_space<vmem>>
    %dma_start3A_53 = arith.constant 192 : i32
    %dma_start3A_54 = tpu.memref_slice %arg5[%dma_start3A_53] : memref<512xi32, #tpu.memory_space<vmem>> -> memref<64xi32, #tpu.memory_space<vmem>>
    %dma_start3A_55 = arith.constant 0 : i32
    %dma_start3A_56 = arith.constant 0 : i32
    %dma_start3A_57 = tpu.memref_slice %arg7[%dma_start3A_55, %dma_start3A_56] : memref<1000x128xf32, #tpu.memory_space<vmem_shared>> -> memref<1000x128xf32, #tpu.memory_space<vmem_shared>>
    %dma_start3A_58 = tpu.memref_slice %arg8[%dma_start3A_48] : memref<8x!tpu.dma_semaphore, #tpu.memory_space<semaphore_mem>> -> memref<1x!tpu.dma_semaphore, #tpu.memory_space<semaphore_mem>>
    %dma_start3A_59 = tpu.memref_squeeze %dma_start3A_58 : memref<1x!tpu.dma_semaphore, #tpu.memory_space<semaphore_mem>> -> memref<!tpu.dma_semaphore, #tpu.memory_space<semaphore_mem>>
    tpu.enqueue_indirect_dma source(%dma_start3A_57 : memref<1000x128xf32, #tpu.memory_space<vmem_shared>>) target(%dma_start3A_52 : memref<64x128xf32, #tpu.memory_space<vmem>>) offsets(%dma_start3A_54 : memref<64xi32, #tpu.memory_space<vmem>>) semaphore(%dma_start3A_59 : memref<!tpu.dma_semaphore, #tpu.memory_space<semaphore_mem>>)
    %dma_start3A_60 = arith.constant 4 : i32
    %dma_start3A_61 = arith.constant 4 : i32
    %dma_start3A_62 = arith.constant 0 : i32
    %dma_start3A_63 = arith.constant 0 : i32
    %dma_start3A_64 = tpu.memref_slice %arg6[%dma_start3A_60, %dma_start3A_62, %dma_start3A_63] : memref<8x64x128xf32, #tpu.memory_space<vmem>> -> memref<1x64x128xf32, #tpu.memory_space<vmem>>
    %dma_start3A_65 = tpu.memref_squeeze %dma_start3A_64 : memref<1x64x128xf32, #tpu.memory_space<vmem>> -> memref<64x128xf32, #tpu.memory_space<vmem>>
    %dma_start3A_66 = arith.constant 256 : i32
    %dma_start3A_67 = tpu.memref_slice %arg5[%dma_start3A_66] : memref<512xi32, #tpu.memory_space<vmem>> -> memref<64xi32, #tpu.memory_space<vmem>>
    %dma_start3A_68 = arith.constant 0 : i32
    %dma_start3A_69 = arith.constant 0 : i32
    %dma_start3A_70 = tpu.memref_slice %arg7[%dma_start3A_68, %dma_start3A_69] : memref<1000x128xf32, #tpu.memory_space<vmem_shared>> -> memref<1000x128xf32, #tpu.memory_space<vmem_shared>>
    %dma_start3A_71 = tpu.memref_slice %arg8[%dma_start3A_61] : memref<8x!tpu.dma_semaphore, #tpu.memory_space<semaphore_mem>> -> memref<1x!tpu.dma_semaphore, #tpu.memory_space<semaphore_mem>>
    %dma_start3A_72 = tpu.memref_squeeze %dma_start3A_71 : memref<1x!tpu.dma_semaphore, #tpu.memory_space<semaphore_mem>> -> memref<!tpu.dma_semaphore, #tpu.memory_space<semaphore_mem>>
    tpu.enqueue_indirect_dma source(%dma_start3A_70 : memref<1000x128xf32, #tpu.memory_space<vmem_shared>>) target(%dma_start3A_65 : memref<64x128xf32, #tpu.memory_space<vmem>>) offsets(%dma_start3A_67 : memref<64xi32, #tpu.memory_space<vmem>>) semaphore(%dma_start3A_72 : memref<!tpu.dma_semaphore, #tpu.memory_space<semaphore_mem>>)
    %dma_start3A_73 = arith.constant 5 : i32
    %dma_start3A_74 = arith.constant 5 : i32
    %dma_start3A_75 = arith.constant 0 : i32
    %dma_start3A_76 = arith.constant 0 : i32
    %dma_start3A_77 = tpu.memref_slice %arg6[%dma_start3A_73, %dma_start3A_75, %dma_start3A_76] : memref<8x64x128xf32, #tpu.memory_space<vmem>> -> memref<1x64x128xf32, #tpu.memory_space<vmem>>
    %dma_start3A_78 = tpu.memref_squeeze %dma_start3A_77 : memref<1x64x128xf32, #tpu.memory_space<vmem>> -> memref<64x128xf32, #tpu.memory_space<vmem>>
    %dma_start3A_79 = arith.constant 320 : i32
    %dma_start3A_80 = tpu.memref_slice %arg5[%dma_start3A_79] : memref<512xi32, #tpu.memory_space<vmem>> -> memref<64xi32, #tpu.memory_space<vmem>>
    %dma_start3A_81 = arith.constant 0 : i32
    %dma_start3A_82 = arith.constant 0 : i32
    %dma_start3A_83 = tpu.memref_slice %arg7[%dma_start3A_81, %dma_start3A_82] : memref<1000x128xf32, #tpu.memory_space<vmem_shared>> -> memref<1000x128xf32, #tpu.memory_space<vmem_shared>>
    %dma_start3A_84 = tpu.memref_slice %arg8[%dma_start3A_74] : memref<8x!tpu.dma_semaphore, #tpu.memory_space<semaphore_mem>> -> memref<1x!tpu.dma_semaphore, #tpu.memory_space<semaphore_mem>>
    %dma_start3A_85 = tpu.memref_squeeze %dma_start3A_84 : memref<1x!tpu.dma_semaphore, #tpu.memory_space<semaphore_mem>> -> memref<!tpu.dma_semaphore, #tpu.memory_space<semaphore_mem>>
    tpu.enqueue_indirect_dma source(%dma_start3A_83 : memref<1000x128xf32, #tpu.memory_space<vmem_shared>>) target(%dma_start3A_78 : memref<64x128xf32, #tpu.memory_space<vmem>>) offsets(%dma_start3A_80 : memref<64xi32, #tpu.memory_space<vmem>>) semaphore(%dma_start3A_85 : memref<!tpu.dma_semaphore, #tpu.memory_space<semaphore_mem>>)
    %dma_start3A_86 = arith.constant 6 : i32
    %dma_start3A_87 = arith.constant 6 : i32
    %dma_start3A_88 = arith.constant 0 : i32
    %dma_start3A_89 = arith.constant 0 : i32
    %dma_start3A_90 = tpu.memref_slice %arg6[%dma_start3A_86, %dma_start3A_88, %dma_start3A_89] : memref<8x64x128xf32, #tpu.memory_space<vmem>> -> memref<1x64x128xf32, #tpu.memory_space<vmem>>
    %dma_start3A_91 = tpu.memref_squeeze %dma_start3A_90 : memref<1x64x128xf32, #tpu.memory_space<vmem>> -> memref<64x128xf32, #tpu.memory_space<vmem>>
    %dma_start3A_92 = arith.constant 384 : i32
    %dma_start3A_93 = tpu.memref_slice %arg5[%dma_start3A_92] : memref<512xi32, #tpu.memory_space<vmem>> -> memref<64xi32, #tpu.memory_space<vmem>>
    %dma_start3A_94 = arith.constant 0 : i32
    %dma_start3A_95 = arith.constant 0 : i32
    %dma_start3A_96 = tpu.memref_slice %arg7[%dma_start3A_94, %dma_start3A_95] : memref<1000x128xf32, #tpu.memory_space<vmem_shared>> -> memref<1000x128xf32, #tpu.memory_space<vmem_shared>>
    %dma_start3A_97 = tpu.memref_slice %arg8[%dma_start3A_87] : memref<8x!tpu.dma_semaphore, #tpu.memory_space<semaphore_mem>> -> memref<1x!tpu.dma_semaphore, #tpu.memory_space<semaphore_mem>>
    %dma_start3A_98 = tpu.memref_squeeze %dma_start3A_97 : memref<1x!tpu.dma_semaphore, #tpu.memory_space<semaphore_mem>> -> memref<!tpu.dma_semaphore, #tpu.memory_space<semaphore_mem>>
    tpu.enqueue_indirect_dma source(%dma_start3A_96 : memref<1000x128xf32, #tpu.memory_space<vmem_shared>>) target(%dma_start3A_91 : memref<64x128xf32, #tpu.memory_space<vmem>>) offsets(%dma_start3A_93 : memref<64xi32, #tpu.memory_space<vmem>>) semaphore(%dma_start3A_98 : memref<!tpu.dma_semaphore, #tpu.memory_space<semaphore_mem>>)
    %dma_start3A_99 = arith.constant 7 : i32
    %dma_start3A_100 = arith.constant 7 : i32
    %dma_start3A_101 = arith.constant 0 : i32
    %dma_start3A_102 = arith.constant 0 : i32
    %dma_start3A_103 = tpu.memref_slice %arg6[%dma_start3A_99, %dma_start3A_101, %dma_start3A_102] : memref<8x64x128xf32, #tpu.memory_space<vmem>> -> memref<1x64x128xf32, #tpu.memory_space<vmem>>
    %dma_start3A_104 = tpu.memref_squeeze %dma_start3A_103 : memref<1x64x128xf32, #tpu.memory_space<vmem>> -> memref<64x128xf32, #tpu.memory_space<vmem>>
    %dma_start3A_105 = arith.constant 448 : i32
    %dma_start3A_106 = tpu.memref_slice %arg5[%dma_start3A_105] : memref<512xi32, #tpu.memory_space<vmem>> -> memref<64xi32, #tpu.memory_space<vmem>>
    %dma_start3A_107 = arith.constant 0 : i32
    %dma_start3A_108 = arith.constant 0 : i32
    %dma_start3A_109 = tpu.memref_slice %arg7[%dma_start3A_107, %dma_start3A_108] : memref<1000x128xf32, #tpu.memory_space<vmem_shared>> -> memref<1000x128xf32, #tpu.memory_space<vmem_shared>>
    %dma_start3A_110 = tpu.memref_slice %arg8[%dma_start3A_100] : memref<8x!tpu.dma_semaphore, #tpu.memory_space<semaphore_mem>> -> memref<1x!tpu.dma_semaphore, #tpu.memory_space<semaphore_mem>>
    %dma_start3A_111 = tpu.memref_squeeze %dma_start3A_110 : memref<1x!tpu.dma_semaphore, #tpu.memory_space<semaphore_mem>> -> memref<!tpu.dma_semaphore, #tpu.memory_space<semaphore_mem>>
    tpu.enqueue_indirect_dma source(%dma_start3A_109 : memref<1000x128xf32, #tpu.memory_space<vmem_shared>>) target(%dma_start3A_104 : memref<64x128xf32, #tpu.memory_space<vmem>>) offsets(%dma_start3A_106 : memref<64xi32, #tpu.memory_space<vmem>>) semaphore(%dma_start3A_111 : memref<!tpu.dma_semaphore, #tpu.memory_space<semaphore_mem>>)
    %dma_wait3A = arith.constant 0 : i32
    %dma_wait3A_112 = arith.constant 0 : i32
    %dma_wait3A_113 = arith.constant 0 : i32
    %dma_wait3A_114 = arith.constant 0 : i32
    %dma_wait3A_115 = tpu.memref_slice %arg6[%dma_wait3A, %dma_wait3A_113, %dma_wait3A_114] : memref<8x64x128xf32, #tpu.memory_space<vmem>> -> memref<1x64x128xf32, #tpu.memory_space<vmem>>
    %dma_wait3A_116 = tpu.memref_squeeze %dma_wait3A_115 : memref<1x64x128xf32, #tpu.memory_space<vmem>> -> memref<64x128xf32, #tpu.memory_space<vmem>>
    %dma_wait3A_117 = arith.constant 0 : i32
    %dma_wait3A_118 = tpu.memref_slice %arg5[%dma_wait3A_117] : memref<512xi32, #tpu.memory_space<vmem>> -> memref<64xi32, #tpu.memory_space<vmem>>
    %dma_wait3A_119 = arith.constant 0 : i32
    %dma_wait3A_120 = arith.constant 0 : i32
    %dma_wait3A_121 = tpu.memref_slice %arg7[%dma_wait3A_119, %dma_wait3A_120] : memref<1000x128xf32, #tpu.memory_space<vmem_shared>> -> memref<1000x128xf32, #tpu.memory_space<vmem_shared>>
    %dma_wait3A_122 = tpu.memref_slice %arg8[%dma_wait3A_112] : memref<8x!tpu.dma_semaphore, #tpu.memory_space<semaphore_mem>> -> memref<1x!tpu.dma_semaphore, #tpu.memory_space<semaphore_mem>>
    %dma_wait3A_123 = tpu.memref_squeeze %dma_wait3A_122 : memref<1x!tpu.dma_semaphore, #tpu.memory_space<semaphore_mem>> -> memref<!tpu.dma_semaphore, #tpu.memory_space<semaphore_mem>>
    tpu.wait_indirect_dma semaphore(%dma_wait3A_123 : memref<!tpu.dma_semaphore, #tpu.memory_space<semaphore_mem>>) src(%dma_wait3A_121 : memref<1000x128xf32, #tpu.memory_space<vmem_shared>>) dst(%dma_wait3A_116 : memref<64x128xf32, #tpu.memory_space<vmem>>)
    %dma_start3A_124 = arith.constant 0 : i32
    %dma_start3A_125 = arith.constant 0 : i32
    %dma_start3A_126 = arith.constant 0 : i32
    %dma_start3A_127 = arith.constant 0 : i32
    %dma_start3A_128 = tpu.memref_slice %arg6[%dma_start3A_124, %dma_start3A_126, %dma_start3A_127] : memref<8x64x128xf32, #tpu.memory_space<vmem>> -> memref<1x64x128xf32, #tpu.memory_space<vmem>>
    %dma_start3A_129 = tpu.memref_squeeze %dma_start3A_128 : memref<1x64x128xf32, #tpu.memory_space<vmem>> -> memref<64x128xf32, #tpu.memory_space<vmem>>
    %dma_start3A_130 = arith.constant 0 : i32
    %dma_start3A_131 = arith.constant 0 : i32
    %dma_start3A_132 = arith.constant 0 : i32
    %dma_start3A_133 = tpu.memref_slice %arg4[%add3A, %dma_start3A_130, %dma_start3A_131, %dma_start3A_132] : memref<32x8x64x128xf32, #tpu.memory_space<hbm>> -> memref<1x8x64x128xf32, #tpu.memory_space<hbm>>
    %dma_start3A_134 = tpu.memref_squeeze %dma_start3A_133 : memref<1x8x64x128xf32, #tpu.memory_space<hbm>> -> memref<8x64x128xf32, #tpu.memory_space<hbm>>
    %dma_start3A_135 = arith.constant 0 : i32
    %dma_start3A_136 = arith.constant 0 : i32
    %dma_start3A_137 = tpu.memref_slice %dma_start3A_134[%dma_start3A_125, %dma_start3A_135, %dma_start3A_136] : memref<8x64x128xf32, #tpu.memory_space<hbm>> -> memref<1x64x128xf32, #tpu.memory_space<hbm>>
    %dma_start3A_138 = tpu.memref_squeeze %dma_start3A_137 : memref<1x64x128xf32, #tpu.memory_space<hbm>> -> memref<64x128xf32, #tpu.memory_space<hbm>>
    %dma_start3A_139 = arith.constant 0 : i32
    %dma_start3A_140 = arith.constant 0 : i32
    %dma_start3A_141 = arith.constant 0 : i32
    %dma_start3A_142 = tpu.memref_slice %arg4[%add3A, %dma_start3A_139, %dma_start3A_140, %dma_start3A_141] : memref<32x8x64x128xf32, #tpu.memory_space<hbm>> -> memref<1x8x64x128xf32, #tpu.memory_space<hbm>>
    %dma_start3A_143 = tpu.memref_squeeze %dma_start3A_142 : memref<1x8x64x128xf32, #tpu.memory_space<hbm>> -> memref<8x64x128xf32, #tpu.memory_space<hbm>>
    %dma_start3A_144 = arith.constant 0 : i32
    %dma_start3A_145 = arith.constant 0 : i32
    %dma_start3A_146 = tpu.memref_slice %dma_start3A_143[%dma_start3A_125, %dma_start3A_144, %dma_start3A_145] : memref<8x64x128xf32, #tpu.memory_space<hbm>> -> memref<1x64x128xf32, #tpu.memory_space<hbm>>
    %dma_start3A_147 = tpu.memref_squeeze %dma_start3A_146 : memref<1x64x128xf32, #tpu.memory_space<hbm>> -> memref<64x128xf32, #tpu.memory_space<hbm>>
    %dma_start3A_148 = arith.constant 0 : i32
    %dma_start3A_149 = arith.constant 0 : i32
    %dma_start3A_150 = tpu.memref_slice %arg6[%dma_start3A_124, %dma_start3A_148, %dma_start3A_149] : memref<8x64x128xf32, #tpu.memory_space<vmem>> -> memref<1x64x128xf32, #tpu.memory_space<vmem>>
    %dma_start3A_151 = tpu.memref_squeeze %dma_start3A_150 : memref<1x64x128xf32, #tpu.memory_space<vmem>> -> memref<64x128xf32, #tpu.memory_space<vmem>>
    tpu.enqueue_dma source(%dma_start3A_151 : memref<64x128xf32, #tpu.memory_space<vmem>>) target(%dma_start3A_147 : memref<64x128xf32, #tpu.memory_space<hbm>>) target_semaphore(%arg9 : memref<!tpu.dma_semaphore, #tpu.memory_space<semaphore_mem>>)
    %dma_wait3A_152 = arith.constant 1 : i32
    %dma_wait3A_153 = arith.constant 1 : i32
    %dma_wait3A_154 = arith.constant 0 : i32
    %dma_wait3A_155 = arith.constant 0 : i32
    %dma_wait3A_156 = tpu.memref_slice %arg6[%dma_wait3A_152, %dma_wait3A_154, %dma_wait3A_155] : memref<8x64x128xf32, #tpu.memory_space<vmem>> -> memref<1x64x128xf32, #tpu.memory_space<vmem>>
    %dma_wait3A_157 = tpu.memref_squeeze %dma_wait3A_156 : memref<1x64x128xf32, #tpu.memory_space<vmem>> -> memref<64x128xf32, #tpu.memory_space<vmem>>
    %dma_wait3A_158 = arith.constant 64 : i32
    %dma_wait3A_159 = tpu.memref_slice %arg5[%dma_wait3A_158] : memref<512xi32, #tpu.memory_space<vmem>> -> memref<64xi32, #tpu.memory_space<vmem>>
    %dma_wait3A_160 = arith.constant 0 : i32
    %dma_wait3A_161 = arith.constant 0 : i32
    %dma_wait3A_162 = tpu.memref_slice %arg7[%dma_wait3A_160, %dma_wait3A_161] : memref<1000x128xf32, #tpu.memory_space<vmem_shared>> -> memref<1000x128xf32, #tpu.memory_space<vmem_shared>>
    %dma_wait3A_163 = tpu.memref_slice %arg8[%dma_wait3A_153] : memref<8x!tpu.dma_semaphore, #tpu.memory_space<semaphore_mem>> -> memref<1x!tpu.dma_semaphore, #tpu.memory_space<semaphore_mem>>
    %dma_wait3A_164 = tpu.memref_squeeze %dma_wait3A_163 : memref<1x!tpu.dma_semaphore, #tpu.memory_space<semaphore_mem>> -> memref<!tpu.dma_semaphore, #tpu.memory_space<semaphore_mem>>
    tpu.wait_indirect_dma semaphore(%dma_wait3A_164 : memref<!tpu.dma_semaphore, #tpu.memory_space<semaphore_mem>>) src(%dma_wait3A_162 : memref<1000x128xf32, #tpu.memory_space<vmem_shared>>) dst(%dma_wait3A_157 : memref<64x128xf32, #tpu.memory_space<vmem>>)
    %dma_start3A_165 = arith.constant 1 : i32
    %dma_start3A_166 = arith.constant 1 : i32
    %dma_start3A_167 = arith.constant 0 : i32
    %dma_start3A_168 = arith.constant 0 : i32
    %dma_start3A_169 = tpu.memref_slice %arg6[%dma_start3A_165, %dma_start3A_167, %dma_start3A_168] : memref<8x64x128xf32, #tpu.memory_space<vmem>> -> memref<1x64x128xf32, #tpu.memory_space<vmem>>
    %dma_start3A_170 = tpu.memref_squeeze %dma_start3A_169 : memref<1x64x128xf32, #tpu.memory_space<vmem>> -> memref<64x128xf32, #tpu.memory_space<vmem>>
    %dma_start3A_171 = arith.constant 0 : i32
    %dma_start3A_172 = arith.constant 0 : i32
    %dma_start3A_173 = arith.constant 0 : i32
    %dma_start3A_174 = tpu.memref_slice %arg4[%add3A, %dma_start3A_171, %dma_start3A_172, %dma_start3A_173] : memref<32x8x64x128xf32, #tpu.memory_space<hbm>> -> memref<1x8x64x128xf32, #tpu.memory_space<hbm>>
    %dma_start3A_175 = tpu.memref_squeeze %dma_start3A_174 : memref<1x8x64x128xf32, #tpu.memory_space<hbm>> -> memref<8x64x128xf32, #tpu.memory_space<hbm>>
    %dma_start3A_176 = arith.constant 0 : i32
    %dma_start3A_177 = arith.constant 0 : i32
    %dma_start3A_178 = tpu.memref_slice %dma_start3A_175[%dma_start3A_166, %dma_start3A_176, %dma_start3A_177] : memref<8x64x128xf32, #tpu.memory_space<hbm>> -> memref<1x64x128xf32, #tpu.memory_space<hbm>>
    %dma_start3A_179 = tpu.memref_squeeze %dma_start3A_178 : memref<1x64x128xf32, #tpu.memory_space<hbm>> -> memref<64x128xf32, #tpu.memory_space<hbm>>
    %dma_start3A_180 = arith.constant 0 : i32
    %dma_start3A_181 = arith.constant 0 : i32
    %dma_start3A_182 = arith.constant 0 : i32
    %dma_start3A_183 = tpu.memref_slice %arg4[%add3A, %dma_start3A_180, %dma_start3A_181, %dma_start3A_182] : memref<32x8x64x128xf32, #tpu.memory_space<hbm>> -> memref<1x8x64x128xf32, #tpu.memory_space<hbm>>
    %dma_start3A_184 = tpu.memref_squeeze %dma_start3A_183 : memref<1x8x64x128xf32, #tpu.memory_space<hbm>> -> memref<8x64x128xf32, #tpu.memory_space<hbm>>
    %dma_start3A_185 = arith.constant 0 : i32
    %dma_start3A_186 = arith.constant 0 : i32
    %dma_start3A_187 = tpu.memref_slice %dma_start3A_184[%dma_start3A_166, %dma_start3A_185, %dma_start3A_186] : memref<8x64x128xf32, #tpu.memory_space<hbm>> -> memref<1x64x128xf32, #tpu.memory_space<hbm>>
    %dma_start3A_188 = tpu.memref_squeeze %dma_start3A_187 : memref<1x64x128xf32, #tpu.memory_space<hbm>> -> memref<64x128xf32, #tpu.memory_space<hbm>>
    %dma_start3A_189 = arith.constant 0 : i32
    %dma_start3A_190 = arith.constant 0 : i32
    %dma_start3A_191 = tpu.memref_slice %arg6[%dma_start3A_165, %dma_start3A_189, %dma_start3A_190] : memref<8x64x128xf32, #tpu.memory_space<vmem>> -> memref<1x64x128xf32, #tpu.memory_space<vmem>>
    %dma_start3A_192 = tpu.memref_squeeze %dma_start3A_191 : memref<1x64x128xf32, #tpu.memory_space<vmem>> -> memref<64x128xf32, #tpu.memory_space<vmem>>
    tpu.enqueue_dma source(%dma_start3A_192 : memref<64x128xf32, #tpu.memory_space<vmem>>) target(%dma_start3A_188 : memref<64x128xf32, #tpu.memory_space<hbm>>) target_semaphore(%arg9 : memref<!tpu.dma_semaphore, #tpu.memory_space<semaphore_mem>>)
    %dma_wait3A_193 = arith.constant 2 : i32
    %dma_wait3A_194 = arith.constant 2 : i32
    %dma_wait3A_195 = arith.constant 0 : i32
    %dma_wait3A_196 = arith.constant 0 : i32
    %dma_wait3A_197 = tpu.memref_slice %arg6[%dma_wait3A_193, %dma_wait3A_195, %dma_wait3A_196] : memref<8x64x128xf32, #tpu.memory_space<vmem>> -> memref<1x64x128xf32, #tpu.memory_space<vmem>>
    %dma_wait3A_198 = tpu.memref_squeeze %dma_wait3A_197 : memref<1x64x128xf32, #tpu.memory_space<vmem>> -> memref<64x128xf32, #tpu.memory_space<vmem>>
    %dma_wait3A_199 = arith.constant 128 : i32
    %dma_wait3A_200 = tpu.memref_slice %arg5[%dma_wait3A_199] : memref<512xi32, #tpu.memory_space<vmem>> -> memref<64xi32, #tpu.memory_space<vmem>>
    %dma_wait3A_201 = arith.constant 0 : i32
    %dma_wait3A_202 = arith.constant 0 : i32
    %dma_wait3A_203 = tpu.memref_slice %arg7[%dma_wait3A_201, %dma_wait3A_202] : memref<1000x128xf32, #tpu.memory_space<vmem_shared>> -> memref<1000x128xf32, #tpu.memory_space<vmem_shared>>
    %dma_wait3A_204 = tpu.memref_slice %arg8[%dma_wait3A_194] : memref<8x!tpu.dma_semaphore, #tpu.memory_space<semaphore_mem>> -> memref<1x!tpu.dma_semaphore, #tpu.memory_space<semaphore_mem>>
    %dma_wait3A_205 = tpu.memref_squeeze %dma_wait3A_204 : memref<1x!tpu.dma_semaphore, #tpu.memory_space<semaphore_mem>> -> memref<!tpu.dma_semaphore, #tpu.memory_space<semaphore_mem>>
    tpu.wait_indirect_dma semaphore(%dma_wait3A_205 : memref<!tpu.dma_semaphore, #tpu.memory_space<semaphore_mem>>) src(%dma_wait3A_203 : memref<1000x128xf32, #tpu.memory_space<vmem_shared>>) dst(%dma_wait3A_198 : memref<64x128xf32, #tpu.memory_space<vmem>>)
    %dma_start3A_206 = arith.constant 2 : i32
    %dma_start3A_207 = arith.constant 2 : i32
    %dma_start3A_208 = arith.constant 0 : i32
    %dma_start3A_209 = arith.constant 0 : i32
    %dma_start3A_210 = tpu.memref_slice %arg6[%dma_start3A_206, %dma_start3A_208, %dma_start3A_209] : memref<8x64x128xf32, #tpu.memory_space<vmem>> -> memref<1x64x128xf32, #tpu.memory_space<vmem>>
    %dma_start3A_211 = tpu.memref_squeeze %dma_start3A_210 : memref<1x64x128xf32, #tpu.memory_space<vmem>> -> memref<64x128xf32, #tpu.memory_space<vmem>>
    %dma_start3A_212 = arith.constant 0 : i32
    %dma_start3A_213 = arith.constant 0 : i32
    %dma_start3A_214 = arith.constant 0 : i32
    %dma_start3A_215 = tpu.memref_slice %arg4[%add3A, %dma_start3A_212, %dma_start3A_213, %dma_start3A_214] : memref<32x8x64x128xf32, #tpu.memory_space<hbm>> -> memref<1x8x64x128xf32, #tpu.memory_space<hbm>>
    %dma_start3A_216 = tpu.memref_squeeze %dma_start3A_215 : memref<1x8x64x128xf32, #tpu.memory_space<hbm>> -> memref<8x64x128xf32, #tpu.memory_space<hbm>>
    %dma_start3A_217 = arith.constant 0 : i32
    %dma_start3A_218 = arith.constant 0 : i32
    %dma_start3A_219 = tpu.memref_slice %dma_start3A_216[%dma_start3A_207, %dma_start3A_217, %dma_start3A_218] : memref<8x64x128xf32, #tpu.memory_space<hbm>> -> memref<1x64x128xf32, #tpu.memory_space<hbm>>
    %dma_start3A_220 = tpu.memref_squeeze %dma_start3A_219 : memref<1x64x128xf32, #tpu.memory_space<hbm>> -> memref<64x128xf32, #tpu.memory_space<hbm>>
    %dma_start3A_221 = arith.constant 0 : i32
    %dma_start3A_222 = arith.constant 0 : i32
    %dma_start3A_223 = arith.constant 0 : i32
    %dma_start3A_224 = tpu.memref_slice %arg4[%add3A, %dma_start3A_221, %dma_start3A_222, %dma_start3A_223] : memref<32x8x64x128xf32, #tpu.memory_space<hbm>> -> memref<1x8x64x128xf32, #tpu.memory_space<hbm>>
    %dma_start3A_225 = tpu.memref_squeeze %dma_start3A_224 : memref<1x8x64x128xf32, #tpu.memory_space<hbm>> -> memref<8x64x128xf32, #tpu.memory_space<hbm>>
    %dma_start3A_226 = arith.constant 0 : i32
    %dma_start3A_227 = arith.constant 0 : i32
    %dma_start3A_228 = tpu.memref_slice %dma_start3A_225[%dma_start3A_207, %dma_start3A_226, %dma_start3A_227] : memref<8x64x128xf32, #tpu.memory_space<hbm>> -> memref<1x64x128xf32, #tpu.memory_space<hbm>>
    %dma_start3A_229 = tpu.memref_squeeze %dma_start3A_228 : memref<1x64x128xf32, #tpu.memory_space<hbm>> -> memref<64x128xf32, #tpu.memory_space<hbm>>
    %dma_start3A_230 = arith.constant 0 : i32
    %dma_start3A_231 = arith.constant 0 : i32
    %dma_start3A_232 = tpu.memref_slice %arg6[%dma_start3A_206, %dma_start3A_230, %dma_start3A_231] : memref<8x64x128xf32, #tpu.memory_space<vmem>> -> memref<1x64x128xf32, #tpu.memory_space<vmem>>
    %dma_start3A_233 = tpu.memref_squeeze %dma_start3A_232 : memref<1x64x128xf32, #tpu.memory_space<vmem>> -> memref<64x128xf32, #tpu.memory_space<vmem>>
    tpu.enqueue_dma source(%dma_start3A_233 : memref<64x128xf32, #tpu.memory_space<vmem>>) target(%dma_start3A_229 : memref<64x128xf32, #tpu.memory_space<hbm>>) target_semaphore(%arg9 : memref<!tpu.dma_semaphore, #tpu.memory_space<semaphore_mem>>)
    %dma_wait3A_234 = arith.constant 3 : i32
    %dma_wait3A_235 = arith.constant 3 : i32
    %dma_wait3A_236 = arith.constant 0 : i32
    %dma_wait3A_237 = arith.constant 0 : i32
    %dma_wait3A_238 = tpu.memref_slice %arg6[%dma_wait3A_234, %dma_wait3A_236, %dma_wait3A_237] : memref<8x64x128xf32, #tpu.memory_space<vmem>> -> memref<1x64x128xf32, #tpu.memory_space<vmem>>
    %dma_wait3A_239 = tpu.memref_squeeze %dma_wait3A_238 : memref<1x64x128xf32, #tpu.memory_space<vmem>> -> memref<64x128xf32, #tpu.memory_space<vmem>>
    %dma_wait3A_240 = arith.constant 192 : i32
    %dma_wait3A_241 = tpu.memref_slice %arg5[%dma_wait3A_240] : memref<512xi32, #tpu.memory_space<vmem>> -> memref<64xi32, #tpu.memory_space<vmem>>
    %dma_wait3A_242 = arith.constant 0 : i32
    %dma_wait3A_243 = arith.constant 0 : i32
    %dma_wait3A_244 = tpu.memref_slice %arg7[%dma_wait3A_242, %dma_wait3A_243] : memref<1000x128xf32, #tpu.memory_space<vmem_shared>> -> memref<1000x128xf32, #tpu.memory_space<vmem_shared>>
    %dma_wait3A_245 = tpu.memref_slice %arg8[%dma_wait3A_235] : memref<8x!tpu.dma_semaphore, #tpu.memory_space<semaphore_mem>> -> memref<1x!tpu.dma_semaphore, #tpu.memory_space<semaphore_mem>>
    %dma_wait3A_246 = tpu.memref_squeeze %dma_wait3A_245 : memref<1x!tpu.dma_semaphore, #tpu.memory_space<semaphore_mem>> -> memref<!tpu.dma_semaphore, #tpu.memory_space<semaphore_mem>>
    tpu.wait_indirect_dma semaphore(%dma_wait3A_246 : memref<!tpu.dma_semaphore, #tpu.memory_space<semaphore_mem>>) src(%dma_wait3A_244 : memref<1000x128xf32, #tpu.memory_space<vmem_shared>>) dst(%dma_wait3A_239 : memref<64x128xf32, #tpu.memory_space<vmem>>)
    %dma_start3A_247 = arith.constant 3 : i32
    %dma_start3A_248 = arith.constant 3 : i32
    %dma_start3A_249 = arith.constant 0 : i32
    %dma_start3A_250 = arith.constant 0 : i32
    %dma_start3A_251 = tpu.memref_slice %arg6[%dma_start3A_247, %dma_start3A_249, %dma_start3A_250] : memref<8x64x128xf32, #tpu.memory_space<vmem>> -> memref<1x64x128xf32, #tpu.memory_space<vmem>>
    %dma_start3A_252 = tpu.memref_squeeze %dma_start3A_251 : memref<1x64x128xf32, #tpu.memory_space<vmem>> -> memref<64x128xf32, #tpu.memory_space<vmem>>
    %dma_start3A_253 = arith.constant 0 : i32
    %dma_start3A_254 = arith.constant 0 : i32
    %dma_start3A_255 = arith.constant 0 : i32
    %dma_start3A_256 = tpu.memref_slice %arg4[%add3A, %dma_start3A_253, %dma_start3A_254, %dma_start3A_255] : memref<32x8x64x128xf32, #tpu.memory_space<hbm>> -> memref<1x8x64x128xf32, #tpu.memory_space<hbm>>
    %dma_start3A_257 = tpu.memref_squeeze %dma_start3A_256 : memref<1x8x64x128xf32, #tpu.memory_space<hbm>> -> memref<8x64x128xf32, #tpu.memory_space<hbm>>
    %dma_start3A_258 = arith.constant 0 : i32
    %dma_start3A_259 = arith.constant 0 : i32
    %dma_start3A_260 = tpu.memref_slice %dma_start3A_257[%dma_start3A_248, %dma_start3A_258, %dma_start3A_259] : memref<8x64x128xf32, #tpu.memory_space<hbm>> -> memref<1x64x128xf32, #tpu.memory_space<hbm>>
    %dma_start3A_261 = tpu.memref_squeeze %dma_start3A_260 : memref<1x64x128xf32, #tpu.memory_space<hbm>> -> memref<64x128xf32, #tpu.memory_space<hbm>>
    %dma_start3A_262 = arith.constant 0 : i32
    %dma_start3A_263 = arith.constant 0 : i32
    %dma_start3A_264 = arith.constant 0 : i32
    %dma_start3A_265 = tpu.memref_slice %arg4[%add3A, %dma_start3A_262, %dma_start3A_263, %dma_start3A_264] : memref<32x8x64x128xf32, #tpu.memory_space<hbm>> -> memref<1x8x64x128xf32, #tpu.memory_space<hbm>>
    %dma_start3A_266 = tpu.memref_squeeze %dma_start3A_265 : memref<1x8x64x128xf32, #tpu.memory_space<hbm>> -> memref<8x64x128xf32, #tpu.memory_space<hbm>>
    %dma_start3A_267 = arith.constant 0 : i32
    %dma_start3A_268 = arith.constant 0 : i32
    %dma_start3A_269 = tpu.memref_slice %dma_start3A_266[%dma_start3A_248, %dma_start3A_267, %dma_start3A_268] : memref<8x64x128xf32, #tpu.memory_space<hbm>> -> memref<1x64x128xf32, #tpu.memory_space<hbm>>
    %dma_start3A_270 = tpu.memref_squeeze %dma_start3A_269 : memref<1x64x128xf32, #tpu.memory_space<hbm>> -> memref<64x128xf32, #tpu.memory_space<hbm>>
    %dma_start3A_271 = arith.constant 0 : i32
    %dma_start3A_272 = arith.constant 0 : i32
    %dma_start3A_273 = tpu.memref_slice %arg6[%dma_start3A_247, %dma_start3A_271, %dma_start3A_272] : memref<8x64x128xf32, #tpu.memory_space<vmem>> -> memref<1x64x128xf32, #tpu.memory_space<vmem>>
    %dma_start3A_274 = tpu.memref_squeeze %dma_start3A_273 : memref<1x64x128xf32, #tpu.memory_space<vmem>> -> memref<64x128xf32, #tpu.memory_space<vmem>>
    tpu.enqueue_dma source(%dma_start3A_274 : memref<64x128xf32, #tpu.memory_space<vmem>>) target(%dma_start3A_270 : memref<64x128xf32, #tpu.memory_space<hbm>>) target_semaphore(%arg9 : memref<!tpu.dma_semaphore, #tpu.memory_space<semaphore_mem>>)
    %dma_wait3A_275 = arith.constant 4 : i32
    %dma_wait3A_276 = arith.constant 4 : i32
    %dma_wait3A_277 = arith.constant 0 : i32
    %dma_wait3A_278 = arith.constant 0 : i32
    %dma_wait3A_279 = tpu.memref_slice %arg6[%dma_wait3A_275, %dma_wait3A_277, %dma_wait3A_278] : memref<8x64x128xf32, #tpu.memory_space<vmem>> -> memref<1x64x128xf32, #tpu.memory_space<vmem>>
    %dma_wait3A_280 = tpu.memref_squeeze %dma_wait3A_279 : memref<1x64x128xf32, #tpu.memory_space<vmem>> -> memref<64x128xf32, #tpu.memory_space<vmem>>
    %dma_wait3A_281 = arith.constant 256 : i32
    %dma_wait3A_282 = tpu.memref_slice %arg5[%dma_wait3A_281] : memref<512xi32, #tpu.memory_space<vmem>> -> memref<64xi32, #tpu.memory_space<vmem>>
    %dma_wait3A_283 = arith.constant 0 : i32
    %dma_wait3A_284 = arith.constant 0 : i32
    %dma_wait3A_285 = tpu.memref_slice %arg7[%dma_wait3A_283, %dma_wait3A_284] : memref<1000x128xf32, #tpu.memory_space<vmem_shared>> -> memref<1000x128xf32, #tpu.memory_space<vmem_shared>>
    %dma_wait3A_286 = tpu.memref_slice %arg8[%dma_wait3A_276] : memref<8x!tpu.dma_semaphore, #tpu.memory_space<semaphore_mem>> -> memref<1x!tpu.dma_semaphore, #tpu.memory_space<semaphore_mem>>
    %dma_wait3A_287 = tpu.memref_squeeze %dma_wait3A_286 : memref<1x!tpu.dma_semaphore, #tpu.memory_space<semaphore_mem>> -> memref<!tpu.dma_semaphore, #tpu.memory_space<semaphore_mem>>
    tpu.wait_indirect_dma semaphore(%dma_wait3A_287 : memref<!tpu.dma_semaphore, #tpu.memory_space<semaphore_mem>>) src(%dma_wait3A_285 : memref<1000x128xf32, #tpu.memory_space<vmem_shared>>) dst(%dma_wait3A_280 : memref<64x128xf32, #tpu.memory_space<vmem>>)
    %dma_start3A_288 = arith.constant 4 : i32
    %dma_start3A_289 = arith.constant 4 : i32
    %dma_start3A_290 = arith.constant 0 : i32
    %dma_start3A_291 = arith.constant 0 : i32
    %dma_start3A_292 = tpu.memref_slice %arg6[%dma_start3A_288, %dma_start3A_290, %dma_start3A_291] : memref<8x64x128xf32, #tpu.memory_space<vmem>> -> memref<1x64x128xf32, #tpu.memory_space<vmem>>
    %dma_start3A_293 = tpu.memref_squeeze %dma_start3A_292 : memref<1x64x128xf32, #tpu.memory_space<vmem>> -> memref<64x128xf32, #tpu.memory_space<vmem>>
    %dma_start3A_294 = arith.constant 0 : i32
    %dma_start3A_295 = arith.constant 0 : i32
    %dma_start3A_296 = arith.constant 0 : i32
    %dma_start3A_297 = tpu.memref_slice %arg4[%add3A, %dma_start3A_294, %dma_start3A_295, %dma_start3A_296] : memref<32x8x64x128xf32, #tpu.memory_space<hbm>> -> memref<1x8x64x128xf32, #tpu.memory_space<hbm>>
    %dma_start3A_298 = tpu.memref_squeeze %dma_start3A_297 : memref<1x8x64x128xf32, #tpu.memory_space<hbm>> -> memref<8x64x128xf32, #tpu.memory_space<hbm>>
    %dma_start3A_299 = arith.constant 0 : i32
    %dma_start3A_300 = arith.constant 0 : i32
    %dma_start3A_301 = tpu.memref_slice %dma_start3A_298[%dma_start3A_289, %dma_start3A_299, %dma_start3A_300] : memref<8x64x128xf32, #tpu.memory_space<hbm>> -> memref<1x64x128xf32, #tpu.memory_space<hbm>>
    %dma_start3A_302 = tpu.memref_squeeze %dma_start3A_301 : memref<1x64x128xf32, #tpu.memory_space<hbm>> -> memref<64x128xf32, #tpu.memory_space<hbm>>
    %dma_start3A_303 = arith.constant 0 : i32
    %dma_start3A_304 = arith.constant 0 : i32
    %dma_start3A_305 = arith.constant 0 : i32
    %dma_start3A_306 = tpu.memref_slice %arg4[%add3A, %dma_start3A_303, %dma_start3A_304, %dma_start3A_305] : memref<32x8x64x128xf32, #tpu.memory_space<hbm>> -> memref<1x8x64x128xf32, #tpu.memory_space<hbm>>
    %dma_start3A_307 = tpu.memref_squeeze %dma_start3A_306 : memref<1x8x64x128xf32, #tpu.memory_space<hbm>> -> memref<8x64x128xf32, #tpu.memory_space<hbm>>
    %dma_start3A_308 = arith.constant 0 : i32
    %dma_start3A_309 = arith.constant 0 : i32
    %dma_start3A_310 = tpu.memref_slice %dma_start3A_307[%dma_start3A_289, %dma_start3A_308, %dma_start3A_309] : memref<8x64x128xf32, #tpu.memory_space<hbm>> -> memref<1x64x128xf32, #tpu.memory_space<hbm>>
    %dma_start3A_311 = tpu.memref_squeeze %dma_start3A_310 : memref<1x64x128xf32, #tpu.memory_space<hbm>> -> memref<64x128xf32, #tpu.memory_space<hbm>>
    %dma_start3A_312 = arith.constant 0 : i32
    %dma_start3A_313 = arith.constant 0 : i32
    %dma_start3A_314 = tpu.memref_slice %arg6[%dma_start3A_288, %dma_start3A_312, %dma_start3A_313] : memref<8x64x128xf32, #tpu.memory_space<vmem>> -> memref<1x64x128xf32, #tpu.memory_space<vmem>>
    %dma_start3A_315 = tpu.memref_squeeze %dma_start3A_314 : memref<1x64x128xf32, #tpu.memory_space<vmem>> -> memref<64x128xf32, #tpu.memory_space<vmem>>
    tpu.enqueue_dma source(%dma_start3A_315 : memref<64x128xf32, #tpu.memory_space<vmem>>) target(%dma_start3A_311 : memref<64x128xf32, #tpu.memory_space<hbm>>) target_semaphore(%arg9 : memref<!tpu.dma_semaphore, #tpu.memory_space<semaphore_mem>>)
    %dma_wait3A_316 = arith.constant 5 : i32
    %dma_wait3A_317 = arith.constant 5 : i32
    %dma_wait3A_318 = arith.constant 0 : i32
    %dma_wait3A_319 = arith.constant 0 : i32
    %dma_wait3A_320 = tpu.memref_slice %arg6[%dma_wait3A_316, %dma_wait3A_318, %dma_wait3A_319] : memref<8x64x128xf32, #tpu.memory_space<vmem>> -> memref<1x64x128xf32, #tpu.memory_space<vmem>>
    %dma_wait3A_321 = tpu.memref_squeeze %dma_wait3A_320 : memref<1x64x128xf32, #tpu.memory_space<vmem>> -> memref<64x128xf32, #tpu.memory_space<vmem>>
    %dma_wait3A_322 = arith.constant 320 : i32
    %dma_wait3A_323 = tpu.memref_slice %arg5[%dma_wait3A_322] : memref<512xi32, #tpu.memory_space<vmem>> -> memref<64xi32, #tpu.memory_space<vmem>>
    %dma_wait3A_324 = arith.constant 0 : i32
    %dma_wait3A_325 = arith.constant 0 : i32
    %dma_wait3A_326 = tpu.memref_slice %arg7[%dma_wait3A_324, %dma_wait3A_325] : memref<1000x128xf32, #tpu.memory_space<vmem_shared>> -> memref<1000x128xf32, #tpu.memory_space<vmem_shared>>
    %dma_wait3A_327 = tpu.memref_slice %arg8[%dma_wait3A_317] : memref<8x!tpu.dma_semaphore, #tpu.memory_space<semaphore_mem>> -> memref<1x!tpu.dma_semaphore, #tpu.memory_space<semaphore_mem>>
    %dma_wait3A_328 = tpu.memref_squeeze %dma_wait3A_327 : memref<1x!tpu.dma_semaphore, #tpu.memory_space<semaphore_mem>> -> memref<!tpu.dma_semaphore, #tpu.memory_space<semaphore_mem>>
    tpu.wait_indirect_dma semaphore(%dma_wait3A_328 : memref<!tpu.dma_semaphore, #tpu.memory_space<semaphore_mem>>) src(%dma_wait3A_326 : memref<1000x128xf32, #tpu.memory_space<vmem_shared>>) dst(%dma_wait3A_321 : memref<64x128xf32, #tpu.memory_space<vmem>>)
    %dma_start3A_329 = arith.constant 5 : i32
    %dma_start3A_330 = arith.constant 5 : i32
    %dma_start3A_331 = arith.constant 0 : i32
    %dma_start3A_332 = arith.constant 0 : i32
    %dma_start3A_333 = tpu.memref_slice %arg6[%dma_start3A_329, %dma_start3A_331, %dma_start3A_332] : memref<8x64x128xf32, #tpu.memory_space<vmem>> -> memref<1x64x128xf32, #tpu.memory_space<vmem>>
    %dma_start3A_334 = tpu.memref_squeeze %dma_start3A_333 : memref<1x64x128xf32, #tpu.memory_space<vmem>> -> memref<64x128xf32, #tpu.memory_space<vmem>>
    %dma_start3A_335 = arith.constant 0 : i32
    %dma_start3A_336 = arith.constant 0 : i32
    %dma_start3A_337 = arith.constant 0 : i32
    %dma_start3A_338 = tpu.memref_slice %arg4[%add3A, %dma_start3A_335, %dma_start3A_336, %dma_start3A_337] : memref<32x8x64x128xf32, #tpu.memory_space<hbm>> -> memref<1x8x64x128xf32, #tpu.memory_space<hbm>>
    %dma_start3A_339 = tpu.memref_squeeze %dma_start3A_338 : memref<1x8x64x128xf32, #tpu.memory_space<hbm>> -> memref<8x64x128xf32, #tpu.memory_space<hbm>>
    %dma_start3A_340 = arith.constant 0 : i32
    %dma_start3A_341 = arith.constant 0 : i32
    %dma_start3A_342 = tpu.memref_slice %dma_start3A_339[%dma_start3A_330, %dma_start3A_340, %dma_start3A_341] : memref<8x64x128xf32, #tpu.memory_space<hbm>> -> memref<1x64x128xf32, #tpu.memory_space<hbm>>
    %dma_start3A_343 = tpu.memref_squeeze %dma_start3A_342 : memref<1x64x128xf32, #tpu.memory_space<hbm>> -> memref<64x128xf32, #tpu.memory_space<hbm>>
    %dma_start3A_344 = arith.constant 0 : i32
    %dma_start3A_345 = arith.constant 0 : i32
    %dma_start3A_346 = arith.constant 0 : i32
    %dma_start3A_347 = tpu.memref_slice %arg4[%add3A, %dma_start3A_344, %dma_start3A_345, %dma_start3A_346] : memref<32x8x64x128xf32, #tpu.memory_space<hbm>> -> memref<1x8x64x128xf32, #tpu.memory_space<hbm>>
    %dma_start3A_348 = tpu.memref_squeeze %dma_start3A_347 : memref<1x8x64x128xf32, #tpu.memory_space<hbm>> -> memref<8x64x128xf32, #tpu.memory_space<hbm>>
    %dma_start3A_349 = arith.constant 0 : i32
    %dma_start3A_350 = arith.constant 0 : i32
    %dma_start3A_351 = tpu.memref_slice %dma_start3A_348[%dma_start3A_330, %dma_start3A_349, %dma_start3A_350] : memref<8x64x128xf32, #tpu.memory_space<hbm>> -> memref<1x64x128xf32, #tpu.memory_space<hbm>>
    %dma_start3A_352 = tpu.memref_squeeze %dma_start3A_351 : memref<1x64x128xf32, #tpu.memory_space<hbm>> -> memref<64x128xf32, #tpu.memory_space<hbm>>
    %dma_start3A_353 = arith.constant 0 : i32
    %dma_start3A_354 = arith.constant 0 : i32
    %dma_start3A_355 = tpu.memref_slice %arg6[%dma_start3A_329, %dma_start3A_353, %dma_start3A_354] : memref<8x64x128xf32, #tpu.memory_space<vmem>> -> memref<1x64x128xf32, #tpu.memory_space<vmem>>
    %dma_start3A_356 = tpu.memref_squeeze %dma_start3A_355 : memref<1x64x128xf32, #tpu.memory_space<vmem>> -> memref<64x128xf32, #tpu.memory_space<vmem>>
    tpu.enqueue_dma source(%dma_start3A_356 : memref<64x128xf32, #tpu.memory_space<vmem>>) target(%dma_start3A_352 : memref<64x128xf32, #tpu.memory_space<hbm>>) target_semaphore(%arg9 : memref<!tpu.dma_semaphore, #tpu.memory_space<semaphore_mem>>)
    %dma_wait3A_357 = arith.constant 6 : i32
    %dma_wait3A_358 = arith.constant 6 : i32
    %dma_wait3A_359 = arith.constant 0 : i32
    %dma_wait3A_360 = arith.constant 0 : i32
    %dma_wait3A_361 = tpu.memref_slice %arg6[%dma_wait3A_357, %dma_wait3A_359, %dma_wait3A_360] : memref<8x64x128xf32, #tpu.memory_space<vmem>> -> memref<1x64x128xf32, #tpu.memory_space<vmem>>
    %dma_wait3A_362 = tpu.memref_squeeze %dma_wait3A_361 : memref<1x64x128xf32, #tpu.memory_space<vmem>> -> memref<64x128xf32, #tpu.memory_space<vmem>>
    %dma_wait3A_363 = arith.constant 384 : i32
    %dma_wait3A_364 = tpu.memref_slice %arg5[%dma_wait3A_363] : memref<512xi32, #tpu.memory_space<vmem>> -> memref<64xi32, #tpu.memory_space<vmem>>
    %dma_wait3A_365 = arith.constant 0 : i32
    %dma_wait3A_366 = arith.constant 0 : i32
    %dma_wait3A_367 = tpu.memref_slice %arg7[%dma_wait3A_365, %dma_wait3A_366] : memref<1000x128xf32, #tpu.memory_space<vmem_shared>> -> memref<1000x128xf32, #tpu.memory_space<vmem_shared>>
    %dma_wait3A_368 = tpu.memref_slice %arg8[%dma_wait3A_358] : memref<8x!tpu.dma_semaphore, #tpu.memory_space<semaphore_mem>> -> memref<1x!tpu.dma_semaphore, #tpu.memory_space<semaphore_mem>>
    %dma_wait3A_369 = tpu.memref_squeeze %dma_wait3A_368 : memref<1x!tpu.dma_semaphore, #tpu.memory_space<semaphore_mem>> -> memref<!tpu.dma_semaphore, #tpu.memory_space<semaphore_mem>>
    tpu.wait_indirect_dma semaphore(%dma_wait3A_369 : memref<!tpu.dma_semaphore, #tpu.memory_space<semaphore_mem>>) src(%dma_wait3A_367 : memref<1000x128xf32, #tpu.memory_space<vmem_shared>>) dst(%dma_wait3A_362 : memref<64x128xf32, #tpu.memory_space<vmem>>)
    %dma_start3A_370 = arith.constant 6 : i32
    %dma_start3A_371 = arith.constant 6 : i32
    %dma_start3A_372 = arith.constant 0 : i32
    %dma_start3A_373 = arith.constant 0 : i32
    %dma_start3A_374 = tpu.memref_slice %arg6[%dma_start3A_370, %dma_start3A_372, %dma_start3A_373] : memref<8x64x128xf32, #tpu.memory_space<vmem>> -> memref<1x64x128xf32, #tpu.memory_space<vmem>>
    %dma_start3A_375 = tpu.memref_squeeze %dma_start3A_374 : memref<1x64x128xf32, #tpu.memory_space<vmem>> -> memref<64x128xf32, #tpu.memory_space<vmem>>
    %dma_start3A_376 = arith.constant 0 : i32
    %dma_start3A_377 = arith.constant 0 : i32
    %dma_start3A_378 = arith.constant 0 : i32
    %dma_start3A_379 = tpu.memref_slice %arg4[%add3A, %dma_start3A_376, %dma_start3A_377, %dma_start3A_378] : memref<32x8x64x128xf32, #tpu.memory_space<hbm>> -> memref<1x8x64x128xf32, #tpu.memory_space<hbm>>
    %dma_start3A_380 = tpu.memref_squeeze %dma_start3A_379 : memref<1x8x64x128xf32, #tpu.memory_space<hbm>> -> memref<8x64x128xf32, #tpu.memory_space<hbm>>
    %dma_start3A_381 = arith.constant 0 : i32
    %dma_start3A_382 = arith.constant 0 : i32
    %dma_start3A_383 = tpu.memref_slice %dma_start3A_380[%dma_start3A_371, %dma_start3A_381, %dma_start3A_382] : memref<8x64x128xf32, #tpu.memory_space<hbm>> -> memref<1x64x128xf32, #tpu.memory_space<hbm>>
    %dma_start3A_384 = tpu.memref_squeeze %dma_start3A_383 : memref<1x64x128xf32, #tpu.memory_space<hbm>> -> memref<64x128xf32, #tpu.memory_space<hbm>>
    %dma_start3A_385 = arith.constant 0 : i32
    %dma_start3A_386 = arith.constant 0 : i32
    %dma_start3A_387 = arith.constant 0 : i32
    %dma_start3A_388 = tpu.memref_slice %arg4[%add3A, %dma_start3A_385, %dma_start3A_386, %dma_start3A_387] : memref<32x8x64x128xf32, #tpu.memory_space<hbm>> -> memref<1x8x64x128xf32, #tpu.memory_space<hbm>>
    %dma_start3A_389 = tpu.memref_squeeze %dma_start3A_388 : memref<1x8x64x128xf32, #tpu.memory_space<hbm>> -> memref<8x64x128xf32, #tpu.memory_space<hbm>>
    %dma_start3A_390 = arith.constant 0 : i32
    %dma_start3A_391 = arith.constant 0 : i32
    %dma_start3A_392 = tpu.memref_slice %dma_start3A_389[%dma_start3A_371, %dma_start3A_390, %dma_start3A_391] : memref<8x64x128xf32, #tpu.memory_space<hbm>> -> memref<1x64x128xf32, #tpu.memory_space<hbm>>
    %dma_start3A_393 = tpu.memref_squeeze %dma_start3A_392 : memref<1x64x128xf32, #tpu.memory_space<hbm>> -> memref<64x128xf32, #tpu.memory_space<hbm>>
    %dma_start3A_394 = arith.constant 0 : i32
    %dma_start3A_395 = arith.constant 0 : i32
    %dma_start3A_396 = tpu.memref_slice %arg6[%dma_start3A_370, %dma_start3A_394, %dma_start3A_395] : memref<8x64x128xf32, #tpu.memory_space<vmem>> -> memref<1x64x128xf32, #tpu.memory_space<vmem>>
    %dma_start3A_397 = tpu.memref_squeeze %dma_start3A_396 : memref<1x64x128xf32, #tpu.memory_space<vmem>> -> memref<64x128xf32, #tpu.memory_space<vmem>>
    tpu.enqueue_dma source(%dma_start3A_397 : memref<64x128xf32, #tpu.memory_space<vmem>>) target(%dma_start3A_393 : memref<64x128xf32, #tpu.memory_space<hbm>>) target_semaphore(%arg9 : memref<!tpu.dma_semaphore, #tpu.memory_space<semaphore_mem>>)
    %dma_wait3A_398 = arith.constant 7 : i32
    %dma_wait3A_399 = arith.constant 7 : i32
    %dma_wait3A_400 = arith.constant 0 : i32
    %dma_wait3A_401 = arith.constant 0 : i32
    %dma_wait3A_402 = tpu.memref_slice %arg6[%dma_wait3A_398, %dma_wait3A_400, %dma_wait3A_401] : memref<8x64x128xf32, #tpu.memory_space<vmem>> -> memref<1x64x128xf32, #tpu.memory_space<vmem>>
    %dma_wait3A_403 = tpu.memref_squeeze %dma_wait3A_402 : memref<1x64x128xf32, #tpu.memory_space<vmem>> -> memref<64x128xf32, #tpu.memory_space<vmem>>
    %dma_wait3A_404 = arith.constant 448 : i32
    %dma_wait3A_405 = tpu.memref_slice %arg5[%dma_wait3A_404] : memref<512xi32, #tpu.memory_space<vmem>> -> memref<64xi32, #tpu.memory_space<vmem>>
    %dma_wait3A_406 = arith.constant 0 : i32
    %dma_wait3A_407 = arith.constant 0 : i32
    %dma_wait3A_408 = tpu.memref_slice %arg7[%dma_wait3A_406, %dma_wait3A_407] : memref<1000x128xf32, #tpu.memory_space<vmem_shared>> -> memref<1000x128xf32, #tpu.memory_space<vmem_shared>>
    %dma_wait3A_409 = tpu.memref_slice %arg8[%dma_wait3A_399] : memref<8x!tpu.dma_semaphore, #tpu.memory_space<semaphore_mem>> -> memref<1x!tpu.dma_semaphore, #tpu.memory_space<semaphore_mem>>
    %dma_wait3A_410 = tpu.memref_squeeze %dma_wait3A_409 : memref<1x!tpu.dma_semaphore, #tpu.memory_space<semaphore_mem>> -> memref<!tpu.dma_semaphore, #tpu.memory_space<semaphore_mem>>
    tpu.wait_indirect_dma semaphore(%dma_wait3A_410 : memref<!tpu.dma_semaphore, #tpu.memory_space<semaphore_mem>>) src(%dma_wait3A_408 : memref<1000x128xf32, #tpu.memory_space<vmem_shared>>) dst(%dma_wait3A_403 : memref<64x128xf32, #tpu.memory_space<vmem>>)
    %dma_start3A_411 = arith.constant 7 : i32
    %dma_start3A_412 = arith.constant 7 : i32
    %dma_start3A_413 = arith.constant 0 : i32
    %dma_start3A_414 = arith.constant 0 : i32
    %dma_start3A_415 = tpu.memref_slice %arg6[%dma_start3A_411, %dma_start3A_413, %dma_start3A_414] : memref<8x64x128xf32, #tpu.memory_space<vmem>> -> memref<1x64x128xf32, #tpu.memory_space<vmem>>
    %dma_start3A_416 = tpu.memref_squeeze %dma_start3A_415 : memref<1x64x128xf32, #tpu.memory_space<vmem>> -> memref<64x128xf32, #tpu.memory_space<vmem>>
    %dma_start3A_417 = arith.constant 0 : i32
    %dma_start3A_418 = arith.constant 0 : i32
    %dma_start3A_419 = arith.constant 0 : i32
    %dma_start3A_420 = tpu.memref_slice %arg4[%add3A, %dma_start3A_417, %dma_start3A_418, %dma_start3A_419] : memref<32x8x64x128xf32, #tpu.memory_space<hbm>> -> memref<1x8x64x128xf32, #tpu.memory_space<hbm>>
    %dma_start3A_421 = tpu.memref_squeeze %dma_start3A_420 : memref<1x8x64x128xf32, #tpu.memory_space<hbm>> -> memref<8x64x128xf32, #tpu.memory_space<hbm>>
    %dma_start3A_422 = arith.constant 0 : i32
    %dma_start3A_423 = arith.constant 0 : i32
    %dma_start3A_424 = tpu.memref_slice %dma_start3A_421[%dma_start3A_412, %dma_start3A_422, %dma_start3A_423] : memref<8x64x128xf32, #tpu.memory_space<hbm>> -> memref<1x64x128xf32, #tpu.memory_space<hbm>>
    %dma_start3A_425 = tpu.memref_squeeze %dma_start3A_424 : memref<1x64x128xf32, #tpu.memory_space<hbm>> -> memref<64x128xf32, #tpu.memory_space<hbm>>
    %dma_start3A_426 = arith.constant 0 : i32
    %dma_start3A_427 = arith.constant 0 : i32
    %dma_start3A_428 = arith.constant 0 : i32
    %dma_start3A_429 = tpu.memref_slice %arg4[%add3A, %dma_start3A_426, %dma_start3A_427, %dma_start3A_428] : memref<32x8x64x128xf32, #tpu.memory_space<hbm>> -> memref<1x8x64x128xf32, #tpu.memory_space<hbm>>
    %dma_start3A_430 = tpu.memref_squeeze %dma_start3A_429 : memref<1x8x64x128xf32, #tpu.memory_space<hbm>> -> memref<8x64x128xf32, #tpu.memory_space<hbm>>
    %dma_start3A_431 = arith.constant 0 : i32
    %dma_start3A_432 = arith.constant 0 : i32
    %dma_start3A_433 = tpu.memref_slice %dma_start3A_430[%dma_start3A_412, %dma_start3A_431, %dma_start3A_432] : memref<8x64x128xf32, #tpu.memory_space<hbm>> -> memref<1x64x128xf32, #tpu.memory_space<hbm>>
    %dma_start3A_434 = tpu.memref_squeeze %dma_start3A_433 : memref<1x64x128xf32, #tpu.memory_space<hbm>> -> memref<64x128xf32, #tpu.memory_space<hbm>>
    %dma_start3A_435 = arith.constant 0 : i32
    %dma_start3A_436 = arith.constant 0 : i32
    %dma_start3A_437 = tpu.memref_slice %arg6[%dma_start3A_411, %dma_start3A_435, %dma_start3A_436] : memref<8x64x128xf32, #tpu.memory_space<vmem>> -> memref<1x64x128xf32, #tpu.memory_space<vmem>>
    %dma_start3A_438 = tpu.memref_squeeze %dma_start3A_437 : memref<1x64x128xf32, #tpu.memory_space<vmem>> -> memref<64x128xf32, #tpu.memory_space<vmem>>
    tpu.enqueue_dma source(%dma_start3A_438 : memref<64x128xf32, #tpu.memory_space<vmem>>) target(%dma_start3A_434 : memref<64x128xf32, #tpu.memory_space<hbm>>) target_semaphore(%arg9 : memref<!tpu.dma_semaphore, #tpu.memory_space<semaphore_mem>>)
    %dma_wait3A_439 = arith.constant 0 : i32
    %dma_wait3A_440 = arith.constant 0 : i32
    %dma_wait3A_441 = arith.constant 0 : i32
    %dma_wait3A_442 = arith.constant 0 : i32
    %dma_wait3A_443 = tpu.memref_slice %arg6[%dma_wait3A_439, %dma_wait3A_441, %dma_wait3A_442] : memref<8x64x128xf32, #tpu.memory_space<vmem>> -> memref<1x64x128xf32, #tpu.memory_space<vmem>>
    %dma_wait3A_444 = tpu.memref_squeeze %dma_wait3A_443 : memref<1x64x128xf32, #tpu.memory_space<vmem>> -> memref<64x128xf32, #tpu.memory_space<vmem>>
    %dma_wait3A_445 = arith.constant 0 : i32
    %dma_wait3A_446 = arith.constant 0 : i32
    %dma_wait3A_447 = arith.constant 0 : i32
    %dma_wait3A_448 = tpu.memref_slice %arg4[%add3A, %dma_wait3A_445, %dma_wait3A_446, %dma_wait3A_447] : memref<32x8x64x128xf32, #tpu.memory_space<hbm>> -> memref<1x8x64x128xf32, #tpu.memory_space<hbm>>
    %dma_wait3A_449 = tpu.memref_squeeze %dma_wait3A_448 : memref<1x8x64x128xf32, #tpu.memory_space<hbm>> -> memref<8x64x128xf32, #tpu.memory_space<hbm>>
    %dma_wait3A_450 = arith.constant 0 : i32
    %dma_wait3A_451 = arith.constant 0 : i32
    %dma_wait3A_452 = tpu.memref_slice %dma_wait3A_449[%dma_wait3A_440, %dma_wait3A_450, %dma_wait3A_451] : memref<8x64x128xf32, #tpu.memory_space<hbm>> -> memref<1x64x128xf32, #tpu.memory_space<hbm>>
    %dma_wait3A_453 = tpu.memref_squeeze %dma_wait3A_452 : memref<1x64x128xf32, #tpu.memory_space<hbm>> -> memref<64x128xf32, #tpu.memory_space<hbm>>
    %dma_wait3A_454 = arith.constant 0 : i32
    %dma_wait3A_455 = arith.constant 0 : i32
    %dma_wait3A_456 = arith.constant 0 : i32
    %dma_wait3A_457 = tpu.memref_slice %arg4[%add3A, %dma_wait3A_454, %dma_wait3A_455, %dma_wait3A_456] : memref<32x8x64x128xf32, #tpu.memory_space<hbm>> -> memref<1x8x64x128xf32, #tpu.memory_space<hbm>>
    %dma_wait3A_458 = tpu.memref_squeeze %dma_wait3A_457 : memref<1x8x64x128xf32, #tpu.memory_space<hbm>> -> memref<8x64x128xf32, #tpu.memory_space<hbm>>
    %dma_wait3A_459 = arith.constant 0 : i32
    %dma_wait3A_460 = arith.constant 0 : i32
    %dma_wait3A_461 = tpu.memref_slice %dma_wait3A_458[%dma_wait3A_440, %dma_wait3A_459, %dma_wait3A_460] : memref<8x64x128xf32, #tpu.memory_space<hbm>> -> memref<1x64x128xf32, #tpu.memory_space<hbm>>
    %dma_wait3A_462 = tpu.memref_squeeze %dma_wait3A_461 : memref<1x64x128xf32, #tpu.memory_space<hbm>> -> memref<64x128xf32, #tpu.memory_space<hbm>>
    %dma_wait3A_463 = arith.constant 0 : i32
    %dma_wait3A_464 = arith.constant 0 : i32
    %dma_wait3A_465 = tpu.memref_slice %arg6[%dma_wait3A_439, %dma_wait3A_463, %dma_wait3A_464] : memref<8x64x128xf32, #tpu.memory_space<vmem>> -> memref<1x64x128xf32, #tpu.memory_space<vmem>>
    %dma_wait3A_466 = tpu.memref_squeeze %dma_wait3A_465 : memref<1x64x128xf32, #tpu.memory_space<vmem>> -> memref<64x128xf32, #tpu.memory_space<vmem>>
    tpu.wait_dma2 semaphore(%arg9 : memref<!tpu.dma_semaphore, #tpu.memory_space<semaphore_mem>>) src(%dma_wait3A_466 : memref<64x128xf32, #tpu.memory_space<vmem>>) dst(%dma_wait3A_462 : memref<64x128xf32, #tpu.memory_space<hbm>>)
    %dma_wait3A_467 = arith.constant 1 : i32
    %dma_wait3A_468 = arith.constant 1 : i32
    %dma_wait3A_469 = arith.constant 0 : i32
    %dma_wait3A_470 = arith.constant 0 : i32
    %dma_wait3A_471 = tpu.memref_slice %arg6[%dma_wait3A_467, %dma_wait3A_469, %dma_wait3A_470] : memref<8x64x128xf32, #tpu.memory_space<vmem>> -> memref<1x64x128xf32, #tpu.memory_space<vmem>>
    %dma_wait3A_472 = tpu.memref_squeeze %dma_wait3A_471 : memref<1x64x128xf32, #tpu.memory_space<vmem>> -> memref<64x128xf32, #tpu.memory_space<vmem>>
    %dma_wait3A_473 = arith.constant 0 : i32
    %dma_wait3A_474 = arith.constant 0 : i32
    %dma_wait3A_475 = arith.constant 0 : i32
    %dma_wait3A_476 = tpu.memref_slice %arg4[%add3A, %dma_wait3A_473, %dma_wait3A_474, %dma_wait3A_475] : memref<32x8x64x128xf32, #tpu.memory_space<hbm>> -> memref<1x8x64x128xf32, #tpu.memory_space<hbm>>
    %dma_wait3A_477 = tpu.memref_squeeze %dma_wait3A_476 : memref<1x8x64x128xf32, #tpu.memory_space<hbm>> -> memref<8x64x128xf32, #tpu.memory_space<hbm>>
    %dma_wait3A_478 = arith.constant 0 : i32
    %dma_wait3A_479 = arith.constant 0 : i32
    %dma_wait3A_480 = tpu.memref_slice %dma_wait3A_477[%dma_wait3A_468, %dma_wait3A_478, %dma_wait3A_479] : memref<8x64x128xf32, #tpu.memory_space<hbm>> -> memref<1x64x128xf32, #tpu.memory_space<hbm>>
    %dma_wait3A_481 = tpu.memref_squeeze %dma_wait3A_480 : memref<1x64x128xf32, #tpu.memory_space<hbm>> -> memref<64x128xf32, #tpu.memory_space<hbm>>
    %dma_wait3A_482 = arith.constant 0 : i32
    %dma_wait3A_483 = arith.constant 0 : i32
    %dma_wait3A_484 = arith.constant 0 : i32
    %dma_wait3A_485 = tpu.memref_slice %arg4[%add3A, %dma_wait3A_482, %dma_wait3A_483, %dma_wait3A_484] : memref<32x8x64x128xf32, #tpu.memory_space<hbm>> -> memref<1x8x64x128xf32, #tpu.memory_space<hbm>>
    %dma_wait3A_486 = tpu.memref_squeeze %dma_wait3A_485 : memref<1x8x64x128xf32, #tpu.memory_space<hbm>> -> memref<8x64x128xf32, #tpu.memory_space<hbm>>
    %dma_wait3A_487 = arith.constant 0 : i32
    %dma_wait3A_488 = arith.constant 0 : i32
    %dma_wait3A_489 = tpu.memref_slice %dma_wait3A_486[%dma_wait3A_468, %dma_wait3A_487, %dma_wait3A_488] : memref<8x64x128xf32, #tpu.memory_space<hbm>> -> memref<1x64x128xf32, #tpu.memory_space<hbm>>
    %dma_wait3A_490 = tpu.memref_squeeze %dma_wait3A_489 : memref<1x64x128xf32, #tpu.memory_space<hbm>> -> memref<64x128xf32, #tpu.memory_space<hbm>>
    %dma_wait3A_491 = arith.constant 0 : i32
    %dma_wait3A_492 = arith.constant 0 : i32
    %dma_wait3A_493 = tpu.memref_slice %arg6[%dma_wait3A_467, %dma_wait3A_491, %dma_wait3A_492] : memref<8x64x128xf32, #tpu.memory_space<vmem>> -> memref<1x64x128xf32, #tpu.memory_space<vmem>>
    %dma_wait3A_494 = tpu.memref_squeeze %dma_wait3A_493 : memref<1x64x128xf32, #tpu.memory_space<vmem>> -> memref<64x128xf32, #tpu.memory_space<vmem>>
    tpu.wait_dma2 semaphore(%arg9 : memref<!tpu.dma_semaphore, #tpu.memory_space<semaphore_mem>>) src(%dma_wait3A_494 : memref<64x128xf32, #tpu.memory_space<vmem>>) dst(%dma_wait3A_490 : memref<64x128xf32, #tpu.memory_space<hbm>>)
    %dma_wait3A_495 = arith.constant 2 : i32
    %dma_wait3A_496 = arith.constant 2 : i32
    %dma_wait3A_497 = arith.constant 0 : i32
    %dma_wait3A_498 = arith.constant 0 : i32
    %dma_wait3A_499 = tpu.memref_slice %arg6[%dma_wait3A_495, %dma_wait3A_497, %dma_wait3A_498] : memref<8x64x128xf32, #tpu.memory_space<vmem>> -> memref<1x64x128xf32, #tpu.memory_space<vmem>>
    %dma_wait3A_500 = tpu.memref_squeeze %dma_wait3A_499 : memref<1x64x128xf32, #tpu.memory_space<vmem>> -> memref<64x128xf32, #tpu.memory_space<vmem>>
    %dma_wait3A_501 = arith.constant 0 : i32
    %dma_wait3A_502 = arith.constant 0 : i32
    %dma_wait3A_503 = arith.constant 0 : i32
    %dma_wait3A_504 = tpu.memref_slice %arg4[%add3A, %dma_wait3A_501, %dma_wait3A_502, %dma_wait3A_503] : memref<32x8x64x128xf32, #tpu.memory_space<hbm>> -> memref<1x8x64x128xf32, #tpu.memory_space<hbm>>
    %dma_wait3A_505 = tpu.memref_squeeze %dma_wait3A_504 : memref<1x8x64x128xf32, #tpu.memory_space<hbm>> -> memref<8x64x128xf32, #tpu.memory_space<hbm>>
    %dma_wait3A_506 = arith.constant 0 : i32
    %dma_wait3A_507 = arith.constant 0 : i32
    %dma_wait3A_508 = tpu.memref_slice %dma_wait3A_505[%dma_wait3A_496, %dma_wait3A_506, %dma_wait3A_507] : memref<8x64x128xf32, #tpu.memory_space<hbm>> -> memref<1x64x128xf32, #tpu.memory_space<hbm>>
    %dma_wait3A_509 = tpu.memref_squeeze %dma_wait3A_508 : memref<1x64x128xf32, #tpu.memory_space<hbm>> -> memref<64x128xf32, #tpu.memory_space<hbm>>
    %dma_wait3A_510 = arith.constant 0 : i32
    %dma_wait3A_511 = arith.constant 0 : i32
    %dma_wait3A_512 = arith.constant 0 : i32
    %dma_wait3A_513 = tpu.memref_slice %arg4[%add3A, %dma_wait3A_510, %dma_wait3A_511, %dma_wait3A_512] : memref<32x8x64x128xf32, #tpu.memory_space<hbm>> -> memref<1x8x64x128xf32, #tpu.memory_space<hbm>>
    %dma_wait3A_514 = tpu.memref_squeeze %dma_wait3A_513 : memref<1x8x64x128xf32, #tpu.memory_space<hbm>> -> memref<8x64x128xf32, #tpu.memory_space<hbm>>
    %dma_wait3A_515 = arith.constant 0 : i32
    %dma_wait3A_516 = arith.constant 0 : i32
    %dma_wait3A_517 = tpu.memref_slice %dma_wait3A_514[%dma_wait3A_496, %dma_wait3A_515, %dma_wait3A_516] : memref<8x64x128xf32, #tpu.memory_space<hbm>> -> memref<1x64x128xf32, #tpu.memory_space<hbm>>
    %dma_wait3A_518 = tpu.memref_squeeze %dma_wait3A_517 : memref<1x64x128xf32, #tpu.memory_space<hbm>> -> memref<64x128xf32, #tpu.memory_space<hbm>>
    %dma_wait3A_519 = arith.constant 0 : i32
    %dma_wait3A_520 = arith.constant 0 : i32
    %dma_wait3A_521 = tpu.memref_slice %arg6[%dma_wait3A_495, %dma_wait3A_519, %dma_wait3A_520] : memref<8x64x128xf32, #tpu.memory_space<vmem>> -> memref<1x64x128xf32, #tpu.memory_space<vmem>>
    %dma_wait3A_522 = tpu.memref_squeeze %dma_wait3A_521 : memref<1x64x128xf32, #tpu.memory_space<vmem>> -> memref<64x128xf32, #tpu.memory_space<vmem>>
    tpu.wait_dma2 semaphore(%arg9 : memref<!tpu.dma_semaphore, #tpu.memory_space<semaphore_mem>>) src(%dma_wait3A_522 : memref<64x128xf32, #tpu.memory_space<vmem>>) dst(%dma_wait3A_518 : memref<64x128xf32, #tpu.memory_space<hbm>>)
    %dma_wait3A_523 = arith.constant 3 : i32
    %dma_wait3A_524 = arith.constant 3 : i32
    %dma_wait3A_525 = arith.constant 0 : i32
    %dma_wait3A_526 = arith.constant 0 : i32
    %dma_wait3A_527 = tpu.memref_slice %arg6[%dma_wait3A_523, %dma_wait3A_525, %dma_wait3A_526] : memref<8x64x128xf32, #tpu.memory_space<vmem>> -> memref<1x64x128xf32, #tpu.memory_space<vmem>>
    %dma_wait3A_528 = tpu.memref_squeeze %dma_wait3A_527 : memref<1x64x128xf32, #tpu.memory_space<vmem>> -> memref<64x128xf32, #tpu.memory_space<vmem>>
    %dma_wait3A_529 = arith.constant 0 : i32
    %dma_wait3A_530 = arith.constant 0 : i32
    %dma_wait3A_531 = arith.constant 0 : i32
    %dma_wait3A_532 = tpu.memref_slice %arg4[%add3A, %dma_wait3A_529, %dma_wait3A_530, %dma_wait3A_531] : memref<32x8x64x128xf32, #tpu.memory_space<hbm>> -> memref<1x8x64x128xf32, #tpu.memory_space<hbm>>
    %dma_wait3A_533 = tpu.memref_squeeze %dma_wait3A_532 : memref<1x8x64x128xf32, #tpu.memory_space<hbm>> -> memref<8x64x128xf32, #tpu.memory_space<hbm>>
    %dma_wait3A_534 = arith.constant 0 : i32
    %dma_wait3A_535 = arith.constant 0 : i32
    %dma_wait3A_536 = tpu.memref_slice %dma_wait3A_533[%dma_wait3A_524, %dma_wait3A_534, %dma_wait3A_535] : memref<8x64x128xf32, #tpu.memory_space<hbm>> -> memref<1x64x128xf32, #tpu.memory_space<hbm>>
    %dma_wait3A_537 = tpu.memref_squeeze %dma_wait3A_536 : memref<1x64x128xf32, #tpu.memory_space<hbm>> -> memref<64x128xf32, #tpu.memory_space<hbm>>
    %dma_wait3A_538 = arith.constant 0 : i32
    %dma_wait3A_539 = arith.constant 0 : i32
    %dma_wait3A_540 = arith.constant 0 : i32
    %dma_wait3A_541 = tpu.memref_slice %arg4[%add3A, %dma_wait3A_538, %dma_wait3A_539, %dma_wait3A_540] : memref<32x8x64x128xf32, #tpu.memory_space<hbm>> -> memref<1x8x64x128xf32, #tpu.memory_space<hbm>>
    %dma_wait3A_542 = tpu.memref_squeeze %dma_wait3A_541 : memref<1x8x64x128xf32, #tpu.memory_space<hbm>> -> memref<8x64x128xf32, #tpu.memory_space<hbm>>
    %dma_wait3A_543 = arith.constant 0 : i32
    %dma_wait3A_544 = arith.constant 0 : i32
    %dma_wait3A_545 = tpu.memref_slice %dma_wait3A_542[%dma_wait3A_524, %dma_wait3A_543, %dma_wait3A_544] : memref<8x64x128xf32, #tpu.memory_space<hbm>> -> memref<1x64x128xf32, #tpu.memory_space<hbm>>
    %dma_wait3A_546 = tpu.memref_squeeze %dma_wait3A_545 : memref<1x64x128xf32, #tpu.memory_space<hbm>> -> memref<64x128xf32, #tpu.memory_space<hbm>>
    %dma_wait3A_547 = arith.constant 0 : i32
    %dma_wait3A_548 = arith.constant 0 : i32
    %dma_wait3A_549 = tpu.memref_slice %arg6[%dma_wait3A_523, %dma_wait3A_547, %dma_wait3A_548] : memref<8x64x128xf32, #tpu.memory_space<vmem>> -> memref<1x64x128xf32, #tpu.memory_space<vmem>>
    %dma_wait3A_550 = tpu.memref_squeeze %dma_wait3A_549 : memref<1x64x128xf32, #tpu.memory_space<vmem>> -> memref<64x128xf32, #tpu.memory_space<vmem>>
    tpu.wait_dma2 semaphore(%arg9 : memref<!tpu.dma_semaphore, #tpu.memory_space<semaphore_mem>>) src(%dma_wait3A_550 : memref<64x128xf32, #tpu.memory_space<vmem>>) dst(%dma_wait3A_546 : memref<64x128xf32, #tpu.memory_space<hbm>>)
    %dma_wait3A_551 = arith.constant 4 : i32
    %dma_wait3A_552 = arith.constant 4 : i32
    %dma_wait3A_553 = arith.constant 0 : i32
    %dma_wait3A_554 = arith.constant 0 : i32
    %dma_wait3A_555 = tpu.memref_slice %arg6[%dma_wait3A_551, %dma_wait3A_553, %dma_wait3A_554] : memref<8x64x128xf32, #tpu.memory_space<vmem>> -> memref<1x64x128xf32, #tpu.memory_space<vmem>>
    %dma_wait3A_556 = tpu.memref_squeeze %dma_wait3A_555 : memref<1x64x128xf32, #tpu.memory_space<vmem>> -> memref<64x128xf32, #tpu.memory_space<vmem>>
    %dma_wait3A_557 = arith.constant 0 : i32
    %dma_wait3A_558 = arith.constant 0 : i32
    %dma_wait3A_559 = arith.constant 0 : i32
    %dma_wait3A_560 = tpu.memref_slice %arg4[%add3A, %dma_wait3A_557, %dma_wait3A_558, %dma_wait3A_559] : memref<32x8x64x128xf32, #tpu.memory_space<hbm>> -> memref<1x8x64x128xf32, #tpu.memory_space<hbm>>
    %dma_wait3A_561 = tpu.memref_squeeze %dma_wait3A_560 : memref<1x8x64x128xf32, #tpu.memory_space<hbm>> -> memref<8x64x128xf32, #tpu.memory_space<hbm>>
    %dma_wait3A_562 = arith.constant 0 : i32
    %dma_wait3A_563 = arith.constant 0 : i32
    %dma_wait3A_564 = tpu.memref_slice %dma_wait3A_561[%dma_wait3A_552, %dma_wait3A_562, %dma_wait3A_563] : memref<8x64x128xf32, #tpu.memory_space<hbm>> -> memref<1x64x128xf32, #tpu.memory_space<hbm>>
    %dma_wait3A_565 = tpu.memref_squeeze %dma_wait3A_564 : memref<1x64x128xf32, #tpu.memory_space<hbm>> -> memref<64x128xf32, #tpu.memory_space<hbm>>
    %dma_wait3A_566 = arith.constant 0 : i32
    %dma_wait3A_567 = arith.constant 0 : i32
    %dma_wait3A_568 = arith.constant 0 : i32
    %dma_wait3A_569 = tpu.memref_slice %arg4[%add3A, %dma_wait3A_566, %dma_wait3A_567, %dma_wait3A_568] : memref<32x8x64x128xf32, #tpu.memory_space<hbm>> -> memref<1x8x64x128xf32, #tpu.memory_space<hbm>>
    %dma_wait3A_570 = tpu.memref_squeeze %dma_wait3A_569 : memref<1x8x64x128xf32, #tpu.memory_space<hbm>> -> memref<8x64x128xf32, #tpu.memory_space<hbm>>
    %dma_wait3A_571 = arith.constant 0 : i32
    %dma_wait3A_572 = arith.constant 0 : i32
    %dma_wait3A_573 = tpu.memref_slice %dma_wait3A_570[%dma_wait3A_552, %dma_wait3A_571, %dma_wait3A_572] : memref<8x64x128xf32, #tpu.memory_space<hbm>> -> memref<1x64x128xf32, #tpu.memory_space<hbm>>
    %dma_wait3A_574 = tpu.memref_squeeze %dma_wait3A_573 : memref<1x64x128xf32, #tpu.memory_space<hbm>> -> memref<64x128xf32, #tpu.memory_space<hbm>>
    %dma_wait3A_575 = arith.constant 0 : i32
    %dma_wait3A_576 = arith.constant 0 : i32
    %dma_wait3A_577 = tpu.memref_slice %arg6[%dma_wait3A_551, %dma_wait3A_575, %dma_wait3A_576] : memref<8x64x128xf32, #tpu.memory_space<vmem>> -> memref<1x64x128xf32, #tpu.memory_space<vmem>>
    %dma_wait3A_578 = tpu.memref_squeeze %dma_wait3A_577 : memref<1x64x128xf32, #tpu.memory_space<vmem>> -> memref<64x128xf32, #tpu.memory_space<vmem>>
    tpu.wait_dma2 semaphore(%arg9 : memref<!tpu.dma_semaphore, #tpu.memory_space<semaphore_mem>>) src(%dma_wait3A_578 : memref<64x128xf32, #tpu.memory_space<vmem>>) dst(%dma_wait3A_574 : memref<64x128xf32, #tpu.memory_space<hbm>>)
    %dma_wait3A_579 = arith.constant 5 : i32
    %dma_wait3A_580 = arith.constant 5 : i32
    %dma_wait3A_581 = arith.constant 0 : i32
    %dma_wait3A_582 = arith.constant 0 : i32
    %dma_wait3A_583 = tpu.memref_slice %arg6[%dma_wait3A_579, %dma_wait3A_581, %dma_wait3A_582] : memref<8x64x128xf32, #tpu.memory_space<vmem>> -> memref<1x64x128xf32, #tpu.memory_space<vmem>>
    %dma_wait3A_584 = tpu.memref_squeeze %dma_wait3A_583 : memref<1x64x128xf32, #tpu.memory_space<vmem>> -> memref<64x128xf32, #tpu.memory_space<vmem>>
    %dma_wait3A_585 = arith.constant 0 : i32
    %dma_wait3A_586 = arith.constant 0 : i32
    %dma_wait3A_587 = arith.constant 0 : i32
    %dma_wait3A_588 = tpu.memref_slice %arg4[%add3A, %dma_wait3A_585, %dma_wait3A_586, %dma_wait3A_587] : memref<32x8x64x128xf32, #tpu.memory_space<hbm>> -> memref<1x8x64x128xf32, #tpu.memory_space<hbm>>
    %dma_wait3A_589 = tpu.memref_squeeze %dma_wait3A_588 : memref<1x8x64x128xf32, #tpu.memory_space<hbm>> -> memref<8x64x128xf32, #tpu.memory_space<hbm>>
    %dma_wait3A_590 = arith.constant 0 : i32
    %dma_wait3A_591 = arith.constant 0 : i32
    %dma_wait3A_592 = tpu.memref_slice %dma_wait3A_589[%dma_wait3A_580, %dma_wait3A_590, %dma_wait3A_591] : memref<8x64x128xf32, #tpu.memory_space<hbm>> -> memref<1x64x128xf32, #tpu.memory_space<hbm>>
    %dma_wait3A_593 = tpu.memref_squeeze %dma_wait3A_592 : memref<1x64x128xf32, #tpu.memory_space<hbm>> -> memref<64x128xf32, #tpu.memory_space<hbm>>
    %dma_wait3A_594 = arith.constant 0 : i32
    %dma_wait3A_595 = arith.constant 0 : i32
    %dma_wait3A_596 = arith.constant 0 : i32
    %dma_wait3A_597 = tpu.memref_slice %arg4[%add3A, %dma_wait3A_594, %dma_wait3A_595, %dma_wait3A_596] : memref<32x8x64x128xf32, #tpu.memory_space<hbm>> -> memref<1x8x64x128xf32, #tpu.memory_space<hbm>>
    %dma_wait3A_598 = tpu.memref_squeeze %dma_wait3A_597 : memref<1x8x64x128xf32, #tpu.memory_space<hbm>> -> memref<8x64x128xf32, #tpu.memory_space<hbm>>
    %dma_wait3A_599 = arith.constant 0 : i32
    %dma_wait3A_600 = arith.constant 0 : i32
    %dma_wait3A_601 = tpu.memref_slice %dma_wait3A_598[%dma_wait3A_580, %dma_wait3A_599, %dma_wait3A_600] : memref<8x64x128xf32, #tpu.memory_space<hbm>> -> memref<1x64x128xf32, #tpu.memory_space<hbm>>
    %dma_wait3A_602 = tpu.memref_squeeze %dma_wait3A_601 : memref<1x64x128xf32, #tpu.memory_space<hbm>> -> memref<64x128xf32, #tpu.memory_space<hbm>>
    %dma_wait3A_603 = arith.constant 0 : i32
    %dma_wait3A_604 = arith.constant 0 : i32
    %dma_wait3A_605 = tpu.memref_slice %arg6[%dma_wait3A_579, %dma_wait3A_603, %dma_wait3A_604] : memref<8x64x128xf32, #tpu.memory_space<vmem>> -> memref<1x64x128xf32, #tpu.memory_space<vmem>>
    %dma_wait3A_606 = tpu.memref_squeeze %dma_wait3A_605 : memref<1x64x128xf32, #tpu.memory_space<vmem>> -> memref<64x128xf32, #tpu.memory_space<vmem>>
    tpu.wait_dma2 semaphore(%arg9 : memref<!tpu.dma_semaphore, #tpu.memory_space<semaphore_mem>>) src(%dma_wait3A_606 : memref<64x128xf32, #tpu.memory_space<vmem>>) dst(%dma_wait3A_602 : memref<64x128xf32, #tpu.memory_space<hbm>>)
    %dma_wait3A_607 = arith.constant 6 : i32
    %dma_wait3A_608 = arith.constant 6 : i32
    %dma_wait3A_609 = arith.constant 0 : i32
    %dma_wait3A_610 = arith.constant 0 : i32
    %dma_wait3A_611 = tpu.memref_slice %arg6[%dma_wait3A_607, %dma_wait3A_609, %dma_wait3A_610] : memref<8x64x128xf32, #tpu.memory_space<vmem>> -> memref<1x64x128xf32, #tpu.memory_space<vmem>>
    %dma_wait3A_612 = tpu.memref_squeeze %dma_wait3A_611 : memref<1x64x128xf32, #tpu.memory_space<vmem>> -> memref<64x128xf32, #tpu.memory_space<vmem>>
    %dma_wait3A_613 = arith.constant 0 : i32
    %dma_wait3A_614 = arith.constant 0 : i32
    %dma_wait3A_615 = arith.constant 0 : i32
    %dma_wait3A_616 = tpu.memref_slice %arg4[%add3A, %dma_wait3A_613, %dma_wait3A_614, %dma_wait3A_615] : memref<32x8x64x128xf32, #tpu.memory_space<hbm>> -> memref<1x8x64x128xf32, #tpu.memory_space<hbm>>
    %dma_wait3A_617 = tpu.memref_squeeze %dma_wait3A_616 : memref<1x8x64x128xf32, #tpu.memory_space<hbm>> -> memref<8x64x128xf32, #tpu.memory_space<hbm>>
    %dma_wait3A_618 = arith.constant 0 : i32
    %dma_wait3A_619 = arith.constant 0 : i32
    %dma_wait3A_620 = tpu.memref_slice %dma_wait3A_617[%dma_wait3A_608, %dma_wait3A_618, %dma_wait3A_619] : memref<8x64x128xf32, #tpu.memory_space<hbm>> -> memref<1x64x128xf32, #tpu.memory_space<hbm>>
    %dma_wait3A_621 = tpu.memref_squeeze %dma_wait3A_620 : memref<1x64x128xf32, #tpu.memory_space<hbm>> -> memref<64x128xf32, #tpu.memory_space<hbm>>
    %dma_wait3A_622 = arith.constant 0 : i32
    %dma_wait3A_623 = arith.constant 0 : i32
    %dma_wait3A_624 = arith.constant 0 : i32
    %dma_wait3A_625 = tpu.memref_slice %arg4[%add3A, %dma_wait3A_622, %dma_wait3A_623, %dma_wait3A_624] : memref<32x8x64x128xf32, #tpu.memory_space<hbm>> -> memref<1x8x64x128xf32, #tpu.memory_space<hbm>>
    %dma_wait3A_626 = tpu.memref_squeeze %dma_wait3A_625 : memref<1x8x64x128xf32, #tpu.memory_space<hbm>> -> memref<8x64x128xf32, #tpu.memory_space<hbm>>
    %dma_wait3A_627 = arith.constant 0 : i32
    %dma_wait3A_628 = arith.constant 0 : i32
    %dma_wait3A_629 = tpu.memref_slice %dma_wait3A_626[%dma_wait3A_608, %dma_wait3A_627, %dma_wait3A_628] : memref<8x64x128xf32, #tpu.memory_space<hbm>> -> memref<1x64x128xf32, #tpu.memory_space<hbm>>
    %dma_wait3A_630 = tpu.memref_squeeze %dma_wait3A_629 : memref<1x64x128xf32, #tpu.memory_space<hbm>> -> memref<64x128xf32, #tpu.memory_space<hbm>>
    %dma_wait3A_631 = arith.constant 0 : i32
    %dma_wait3A_632 = arith.constant 0 : i32
    %dma_wait3A_633 = tpu.memref_slice %arg6[%dma_wait3A_607, %dma_wait3A_631, %dma_wait3A_632] : memref<8x64x128xf32, #tpu.memory_space<vmem>> -> memref<1x64x128xf32, #tpu.memory_space<vmem>>
    %dma_wait3A_634 = tpu.memref_squeeze %dma_wait3A_633 : memref<1x64x128xf32, #tpu.memory_space<vmem>> -> memref<64x128xf32, #tpu.memory_space<vmem>>
    tpu.wait_dma2 semaphore(%arg9 : memref<!tpu.dma_semaphore, #tpu.memory_space<semaphore_mem>>) src(%dma_wait3A_634 : memref<64x128xf32, #tpu.memory_space<vmem>>) dst(%dma_wait3A_630 : memref<64x128xf32, #tpu.memory_space<hbm>>)
    %dma_wait3A_635 = arith.constant 7 : i32
    %dma_wait3A_636 = arith.constant 7 : i32
    %dma_wait3A_637 = arith.constant 0 : i32
    %dma_wait3A_638 = arith.constant 0 : i32
    %dma_wait3A_639 = tpu.memref_slice %arg6[%dma_wait3A_635, %dma_wait3A_637, %dma_wait3A_638] : memref<8x64x128xf32, #tpu.memory_space<vmem>> -> memref<1x64x128xf32, #tpu.memory_space<vmem>>
    %dma_wait3A_640 = tpu.memref_squeeze %dma_wait3A_639 : memref<1x64x128xf32, #tpu.memory_space<vmem>> -> memref<64x128xf32, #tpu.memory_space<vmem>>
    %dma_wait3A_641 = arith.constant 0 : i32
    %dma_wait3A_642 = arith.constant 0 : i32
    %dma_wait3A_643 = arith.constant 0 : i32
    %dma_wait3A_644 = tpu.memref_slice %arg4[%add3A, %dma_wait3A_641, %dma_wait3A_642, %dma_wait3A_643] : memref<32x8x64x128xf32, #tpu.memory_space<hbm>> -> memref<1x8x64x128xf32, #tpu.memory_space<hbm>>
    %dma_wait3A_645 = tpu.memref_squeeze %dma_wait3A_644 : memref<1x8x64x128xf32, #tpu.memory_space<hbm>> -> memref<8x64x128xf32, #tpu.memory_space<hbm>>
    %dma_wait3A_646 = arith.constant 0 : i32
    %dma_wait3A_647 = arith.constant 0 : i32
    %dma_wait3A_648 = tpu.memref_slice %dma_wait3A_645[%dma_wait3A_636, %dma_wait3A_646, %dma_wait3A_647] : memref<8x64x128xf32, #tpu.memory_space<hbm>> -> memref<1x64x128xf32, #tpu.memory_space<hbm>>
    %dma_wait3A_649 = tpu.memref_squeeze %dma_wait3A_648 : memref<1x64x128xf32, #tpu.memory_space<hbm>> -> memref<64x128xf32, #tpu.memory_space<hbm>>
    %dma_wait3A_650 = arith.constant 0 : i32
    %dma_wait3A_651 = arith.constant 0 : i32
    %dma_wait3A_652 = arith.constant 0 : i32
    %dma_wait3A_653 = tpu.memref_slice %arg4[%add3A, %dma_wait3A_650, %dma_wait3A_651, %dma_wait3A_652] : memref<32x8x64x128xf32, #tpu.memory_space<hbm>> -> memref<1x8x64x128xf32, #tpu.memory_space<hbm>>
    %dma_wait3A_654 = tpu.memref_squeeze %dma_wait3A_653 : memref<1x8x64x128xf32, #tpu.memory_space<hbm>> -> memref<8x64x128xf32, #tpu.memory_space<hbm>>
    %dma_wait3A_655 = arith.constant 0 : i32
    %dma_wait3A_656 = arith.constant 0 : i32
    %dma_wait3A_657 = tpu.memref_slice %dma_wait3A_654[%dma_wait3A_636, %dma_wait3A_655, %dma_wait3A_656] : memref<8x64x128xf32, #tpu.memory_space<hbm>> -> memref<1x64x128xf32, #tpu.memory_space<hbm>>
    %dma_wait3A_658 = tpu.memref_squeeze %dma_wait3A_657 : memref<1x64x128xf32, #tpu.memory_space<hbm>> -> memref<64x128xf32, #tpu.memory_space<hbm>>
    %dma_wait3A_659 = arith.constant 0 : i32
    %dma_wait3A_660 = arith.constant 0 : i32
    %dma_wait3A_661 = tpu.memref_slice %arg6[%dma_wait3A_635, %dma_wait3A_659, %dma_wait3A_660] : memref<8x64x128xf32, #tpu.memory_space<vmem>> -> memref<1x64x128xf32, #tpu.memory_space<vmem>>
    %dma_wait3A_662 = tpu.memref_squeeze %dma_wait3A_661 : memref<1x64x128xf32, #tpu.memory_space<vmem>> -> memref<64x128xf32, #tpu.memory_space<vmem>>
    tpu.wait_dma2 semaphore(%arg9 : memref<!tpu.dma_semaphore, #tpu.memory_space<semaphore_mem>>) src(%dma_wait3A_662 : memref<64x128xf32, #tpu.memory_space<vmem>>) dst(%dma_wait3A_658 : memref<64x128xf32, #tpu.memory_space<hbm>>)
    return
  }
}

</mosaic_0001>

<sc_bundles>
// kernel: kernel.3.cloned.1.call-start
scs
__scs_entry_jumppad:
0x0: {  	(pc) =	sbr.rel $0x88, $3  }
0x1: {  	(tag) =	ssettag $0x0;
	lr =	simm.s32 $0x1  }
0x2: {  	[smem:$0x3F9F] =	sst lr;
	_ =	strace $0xD0000000  }
0x3: {  	_ = 	snop  }
0x4: {  	_ = 	snop  }
0x5: {  	_ = 	snop  }
0x6: {  	_ = 	snop  }
0x7: {  	_ = 	snop  }
__scs_overlays_trampoline_lowered:
0x8: {  	[smem:$0x3FAE] =	sst s0  }
0x9: {  	[smem:$0x3FAF] =	sst s1  }
0xa: {  	[smem:$0x3FB0] =	sst s2  }
0xb: {  	[smem:$0x3FB1] =	sst s3  }
0xc: {  	[smem:$0x3FB2] =	sst s4  }
0xd: {  	[smem:$0x3FB3] =	sst s5  }
0xe: {  	[smem:$0x3FB4] =	sst s6  }
0xf: {  	[smem:$0x3FB5] =	sst s7  }
0x10: {  	[smem:$0x3FB6] =	sst s8  }
0x11: {  	[smem:$0x3FB7] =	sst s9;
	s0 =	simm.s32 @!p0 $0x0  }
0x12: {  	s1 =	sld [smem:$0x3F9D];
	s0 =	simm.s32 @p0 $0x1  }
0x13: {  	[smem:$0x3FB8] =	sst s0;
	s0 =	simm.s32 @!p1 $0x0  }
0x14: {  	s2 =	sld [smem:$0x3F9C];
	s0 =	simm.s32 @p1 $0x1  }
0x15: {  	[smem:$0x3FB9] =	sst s0;
	s0 =	simm.s32 @!p2 $0x0  }
0x16: {  	s3 =	sld [smem:$0x3FDB];
	s0 =	simm.s32 @p2 $0x1  }
0x17: {  	s4 =	simm.s32 $0x1BF5;
	[smem:$0x3FBB] =	sst s0  }
0x18: {  	s0 =	sld [smem:$0x3F9E];
	_ =	swait.ge [sflag:s4], $0x0  }
0x19: {  	s7 =	sld [smem:$0x3F9F]  }
0x1a: {  	s8 =	sadd.s32 $0xFFFFE003, lr  }
0x1b: {  	s9 =	sadd.s32 $0xFFFFFEF7, lr;
	s5 =	simm.s32 $0xFFFFFFFF;
	p2 =	slt.u32 s8, $0xFFFFF086  }
0x1c: {  	p1 =	slt.u32 s9, $0xF7A;
	s5 =	simm.s32 @!p2 $0x0  }
0x1d: {  	s5 =	simm.s32 @p1 $0x1;
	p0 =	seq.s32 s7, s2  }
0x1e: {  	s7 =	smul.u32 @!p0 $0xF7A, s2;
	p2 =	seq.s32 @!p0 s5, $0x0  }
0x1f: {  	s9 =	smul.u32 $0xF7A, s1;
	s8 =	simm.s32 @!p0 $0x1BF5;
	p2 =	por !p2, p0  }
0x20: {  	[sflag:s8] =	ssyncset.s32 @!p0 $0xFFFFF086;
	s6 =	sadd.s32 @!p0 s3, s7;
	s7 =	simm.s32 @!p0 $0x108  }
0x21: {  	s3 =	sadd.s32 s3, s9;
	s6 =	sadd.s32 @!p0 $0x88, s6;
	s7 =	simm.s32 @p2 $0x1082  }
0x22: {  	[simem:s7], [sflag:s8] =	dma.local @!p0 [hbm:s6], $0xF7A  }
0x23: {  	s9 =	sor.u32 $0xD0000000, s2;
	s6 =	simm.s32 $0x108;
	_ =	swait.ge @!p0 [sflag:s8], $0x0  }
0x24: {  	s3 =	sadd.s32 $0x88, s3;
	s6 =	simm.s32 @!p1 $0x1082;
	[sflag:s4] =	ssyncset.s32 $0xFFFFF086  }
0x25: {  	[simem:s6], [sflag:s4] =	dma.local [hbm:s3], $0xF7A  }
0x26: {  	[smem:$0x3F9F] =	sst s1;
	(tag) =	ssettag s2;
	_ =	strace s9  }
0x27: {  	s1 =	sld [smem:$0x3FAF]  }
0x28: {  	s2 =	sld [smem:$0x3FB0]  }
0x29: {  	s4 =	sld [smem:$0x3FB2]  }
0x2a: {  	p0 =	seq.s32 s5, $0x0;
	s5 =	sld [smem:$0x3FB3]  }
0x2b: {  	s6 =	sld [smem:$0x3FB4]  }
0x2c: {  	s7 =	sld [smem:$0x3FB5]  }
0x2d: {  	s3 =	simm.s32 $0x108;
	s8 =	sld [smem:$0x3FB6]  }
0x2e: {  	s3 =	simm.s32 @!p0 $0x1082;
	s9 =	sld [smem:$0x3FB7]  }
0x2f: {  	lr =	sadd.s32 s0, s3;
	s0 =	sld [smem:$0x3FAE]  }
0x30: {  	s3 =	sld [smem:$0x3FB1]  }
0x31: {  	[smem:$0x3FBA] =	sst s10  }
0x32: {  	s10 =	sld [smem:$0x3FB8];
	_ =	sdelay $0x3  }
0x33: {  	p0 =	seq.s32 s10, $0x1;
	s10 =	sld [smem:$0x3FBA];
	_ =	sdelay $0x3  }
0x34: {  	[smem:$0x3FBA] =	sst s10  }
0x35: {  	s10 =	sld [smem:$0x3FB9];
	_ =	sdelay $0x3  }
0x36: {  	p1 =	seq.s32 s10, $0x1;
	s10 =	sld [smem:$0x3FBA];
	_ =	sdelay $0x3  }
0x37: {  	[smem:$0x3FBA] =	sst s10  }
0x38: {  	s10 =	sld [smem:$0x3FBB]  }
0x39: {  	_ = 	snop;
	(pc) =	sbr.ind lr, $3  }
0x3a: {  	_ = 	snop  }
0x3b: {  	_ = 	snop  }
0x3c: {  	p2 =	seq.s32 s10, $0x1;
	s10 =	sld [smem:$0x3FBA]  }
0x3d: {  	_ =	shalt  }
0x3e: {  	_ =	shalt  }
0x3f: {  	_ =	shalt  }
0x40: {  	_ =	shalt  }
0x41: {  	_ =	shalt  }
0x42: {  	_ =	shalt  }
0x43: {  	_ =	shalt  }
0x44: {  	_ =	shalt  }
0x45: {  	_ =	shalt  }
0x46: {  	_ =	shalt  }
0x47: {  	_ =	shalt  }
0x48: {  	_ =	shalt  }
0x49: {  	_ =	shalt  }
0x4a: {  	_ =	shalt  }
0x4b: {  	_ =	shalt  }
0x4c: {  	_ =	shalt  }
0x4d: {  	_ =	shalt  }
0x4e: {  	_ =	shalt  }
0x4f: {  	_ =	shalt  }
0x50: {  	_ =	shalt  }
0x51: {  	_ =	shalt  }
0x52: {  	_ =	shalt  }
0x53: {  	_ =	shalt  }
0x54: {  	_ =	shalt  }
0x55: {  	_ =	shalt  }
0x56: {  	_ =	shalt  }
0x57: {  	_ =	shalt  }
0x58: {  	_ =	shalt  }
0x59: {  	_ =	shalt  }
0x5a: {  	_ =	shalt  }
0x5b: {  	_ =	shalt  }
0x5c: {  	_ =	shalt  }
0x5d: {  	_ =	shalt  }
0x5e: {  	_ =	shalt  }
0x5f: {  	_ =	shalt  }
0x60: {  	_ =	shalt  }
0x61: {  	_ =	shalt  }
0x62: {  	_ =	shalt  }
0x63: {  	_ =	shalt  }
0x64: {  	_ =	shalt  }
0x65: {  	_ =	shalt  }
0x66: {  	_ =	shalt  }
0x67: {  	_ =	shalt  }
0x68: {  	_ =	shalt  }
0x69: {  	_ =	shalt  }
0x6a: {  	_ =	shalt  }
0x6b: {  	_ =	shalt  }
0x6c: {  	_ =	shalt  }
0x6d: {  	_ =	shalt  }
0x6e: {  	_ =	shalt  }
0x6f: {  	_ =	shalt  }
0x70: {  	_ =	shalt  }
0x71: {  	_ =	shalt  }
0x72: {  	_ =	shalt  }
0x73: {  	_ =	shalt  }
0x74: {  	_ =	shalt  }
0x75: {  	_ =	shalt  }
0x76: {  	_ =	shalt  }
0x77: {  	_ =	shalt  }
0x78: {  	_ =	shalt  }
0x79: {  	_ =	shalt  }
0x7a: {  	_ =	shalt  }
0x7b: {  	_ =	shalt  }
0x7c: {  	_ =	shalt  }
0x7d: {  	_ =	shalt  }
0x7e: {  	_ =	shalt  }
0x7f: {  	_ =	shalt  }
0x80: {  	_ =	shalt  }
0x81: {  	_ =	shalt  }
0x82: {  	_ =	shalt  }
0x83: {  	_ =	shalt  }
0x84: {  	_ =	shalt  }
0x85: {  	_ =	shalt  }
0x86: {  	_ =	shalt  }
0x87: {  	_ =	shalt  }
.Lfunc_end0:
.L_simem_size_0:
called_computation_lowered:
.L_overlay_start_0:
0x88: {  	s2 =	sld [smem:$0x3FD9]  }
0x89: {  	s3 =	sld [smem:$0x3FFE];
	_ =	sdelay $0x1  }
0x8a: {  	s1 =	srdreg.scid  }
0x8b: {  	s0 =	sand.u32 $0x1, s1  }
0x8c: {  	s18 =	sshll.u32 s0, $0xA;
	s2 =	sadd.s32 s3, s2  }
0x8d: {  	s2 =	sadd.s32 s2, s18  }
0x8e: {  	[smem:$0x3FC6] =	sst s2  }
0x8f: {  	_ = 	snop  }
0x90: {  	s2 =	sld [smem:$0x3FC9]  }
0x91: {  	s19 =	sld [smem:$0x3FC8]  }
0x92: {  	s4 =	sld [smem:$0x3FD0];
	(tm) =	ssettm $0x1  }
0x93: {  	s5 =	sld [smem:$0x3FFB];
	_ =	sdelay $0x3  }
0x94: {  	_ =	strace s5  }
0x95: {  	s5 =	sld [smem:$0x3FFC];
	_ =	sdelay $0x3  }
0x96: {  	_ =	strace s5  }
0x97: {  	s5 =	sld [smem:$0x3FFD];
	_ =	sdelay $0x3  }
0x98: {  	_ =	strace s5  }
0x99: {  	_ =	strace $0x8FFFFFFF  }
0x9a: {  	s20 =	sld [smem:$0x3FDB];
	_ =	sdelay $0x1  }
0x9b: {  	s6 =	simm.s32 $_scs_section_size  }
0x9c: {  	s7 =	simm.s32 $_size__tile_overlayer_lowered;
	s8 =	simm.s32 $_tile_overlayer_lowered  }
0x9d: {  	s23 =	simm.s32 $0x1BFF;
	s22 =	sshll.u32 s8, $0x1;
	s5 =	sadd.s32 s6, s20  }
0x9e: {  	s9 =	simm.s32 $0x0;
	s21 =	sshll.u32 s7, $0x1;
	s7 =	sadd.s32 s22, s5  }
0x9f: {  	[timem:s9], [sflag:s23] =	dma.local [hbm:s7], s21  }
0xa0: {  	_ =	swait.ge [sflag:s23], s21  }
0xa1: {  	s6 =	ssub.s32 $0x0, s21;
	[sflag:s23] =	ssyncset.done $0x0  }
0xa2: {  	[sflag:s23] =	ssyncadd.s32 s6;
	_ =	sdelay $0x1  }
0xa3: {  	s24 =	simm.s32 $0x1B8B  }
0xa4: {  	_ =	swait.ge [sflag:s24], $0x1  }
0xa5: {  	[sflag:s24] =	ssyncset.done $0x0  }
0xa6: {  	s25 =	simm.s32 $0x1B8E;
	[sflag:s24] =	ssyncadd.s32 $0xFFFFFFFF  }
0xa7: {  	s26 =	simm.s32 $execute0_lowered;
	[smem:$0x3FD2] =	sst s25  }
0xa8: {  	s6 =	sshll.u32 s26, $0x1;
	_ =	strace $0x80000046;
	[dreg:$0x1] =	wrdreg $0xFFFFFFFF  }
0xa9: {  	s28 =	simm.s32 $_size_execute0_lowered;
	s5 =	sadd.s32 s5, s6;
	[dreg:$0x0] =	wrdreg $0x0  }
0xaa: {  	s6 =	sshll.u32 s28, $0x1;
	[dreg:$0x2] =	wrdreg s5  }
0xab: {  	[dreg:$0x3] =	wrdreg s6  }
0xac: {  	[dreg:$0x4] =	wrdreg $0xC0  }
0xad: {  	_ =	task [dreg:s9], $0x5FFFF  }
0xae: {  	[dreg:$0x1] =	wrdreg $0xFFFFFFFF  }
0xaf: {  	[dreg:$0x0] =	wrdreg $0x60  }
0xb0: {  	[dreg:$0x2] =	wrdreg s2  }
0xb1: {  	[dreg:$0x3] =	wrdreg s19  }
0xb2: {  	[dreg:$0x4] =	wrdreg s4  }
0xb3: {  	[dreg:$0x5] =	wrdreg $0x102000  }
0xb4: {  	[dreg:$0x6] =	wrdreg $0x9  }
0xb5: {  	_ =	task.clear_ibuf [dreg:s9], $0x7FFFF;
	_ =	strace $0x90000046  }
0xb6: {  	s29 =	simm.s32 $0x9;
	_ =	strace $0x80000048  }
0xb7: {  	_ =	swait.ge [sflag:s29], $0x1  }
0xb8: {  	[sflag:s29] =	ssyncadd.s32 $0xFFFFFFFF  }
0xb9: {  	_ =	strace $0x90000048  }
0xba: {  	_ =	sfence  }
0xbb: {  	s30 =	sld [smem:$0x0];
	_ =	sdelay $0x2  }
0xbc: {  	s31 =	sshll.u32 s1, $0xD;
	s1 =	sshrl.u32 s1, $0x2  }
0xbd: {  	s3 =	sand.u32 $0x4000, s31;
	s1 =	sadd.s32 s1, s30  }
0xbe: {  	s0 =	sor.u32 s3, s0;
	s1 =	sshll.u32 s1, $0x11  }
0xbf: {  	s0 =	sor.u32 s1, s0  }
0xc0: {  	s0 =	sadd.s32 $0x8F2B, s0  }
0xc1: {  	[sflag:s0] =	ssyncadd.remote.s32 $0x1  }
0xc2: {  	_ =	sfence.sel $0xFFFF  }
0xc3: {  	[dreg:$0x0] =	wrdreg $0xFFFFFFFF;
	(pc) =	sbr.abs _section_cstart, $3  }
0xc4: {  	[dreg:$0x1] =	wrdreg $0xFFFFFFFF  }
0xc5: {  	_ =	task.clear_ibuf [dreg:s9], $0x2FFFF;
	_ =	strace $0x9FFFFFFF  }
0xc6: {  	(tm) =	ssettm $0x7FFFFFFF  }
0xc7: {  	_ =	shalt  }
tec
execute0_lowered:
.L_overlay_start_1:
0x0: {  	(tag) =	ssettag $0x1  }
0x1: {  	s4 =	rddreg [dreg:$0x0]  }
0x2: {  	s5 =	rddreg [dreg:$0x1]  }
0x3: {  	s0 =	rddreg [dreg:$0x2]  }
0x4: {  	s2 =	rddreg [dreg:$0x3];
	s3 =	simm.s32 $0x0  }
0x5: {  	s1 =	srdreg.scid;
	s19 =	simm.s32 $0x80;
	[smem:$0x7FF] =	sst s3  }
0x6: {  	s20 =	simm.s32 $0xC0;
	_ =	strace $0x80000047;
	[dreg:$0xb] =	wrdreg s19  }
0x7: {  	s7 =	stileid.u32;
	s21 =	simm.s32 $0x100;
	[dreg:$0xc] =	wrdreg s20  }
0x8: {  	s22 =	simm.s32 $0x140;
	s23 =	simm.s32 $0x180;
	[dreg:$0xd] =	wrdreg s21  }
0x9: {  	s25 =	simm.s32 $0x1C0;
	s9 =	sand.u32 $0x1, s1;
	[dreg:$0xe] =	wrdreg s22  }
0xa: {  	s15 =	sshll.u32 s7, $0x1;
	s16 =	sshll.u32 s7, $0xA;
	[dreg:$0xf] =	wrdreg s23  }
0xb: {  	s1 =	sor.u32 s9, s15;
	s17 =	sadd.s32 s5, s16;
	[dreg:$0x10] =	wrdreg s25  }
0xc: {  	s5 =	sadd.s32 $0x3C00, s5;
	s6 =	sshll.u32 s1, $0x6;
	[dreg:$0x6] =	wrdreg s17  }
0xd: {  	s18 =	sshll.u32 s7, $0xD;
	[dreg:$0x7] =	wrdreg s5;
	s4 =	sadd.s32 s4, s6  }
0xe: {  	p0 =	seq.s32 s7, $0xF;
	[dreg:$0x5] =	wrdreg s4;
	s4 =	sadd.s32 $0x1E000, s2  }
0xf: {  	s5 =	sshll.u32 @!p0 s7, $0x6;
	s4 =	sshrl.u32 @p0 s4, $0x3;
	s24 =	rddreg [dreg:$0x5]  }
0x10: {  	s6 =	sadd.s32 s18, s2;
	[dreg:$0xa] =	wrdreg s4;
	s4 =	sor.u32 @!p0 $0x1C0A, s5  }
0x11: {  	[tilespmem:s3], [sflag:$0xA] =	stream.linear.gather [hbm4b:s24+s3], $0x200, $0x38;
	[tilespmem:$0x12140] =	vst v63  }
0x12: {  	[dreg:$0x8] =	wrdreg s4;
	s4 =	sshrl.u32 @!p0 s6, $0x3  }
0x13: {  	[dreg:$0x9] =	wrdreg s4;
	s4 =	simm.s32 $0xA  }
0x14: {  	_ =	swait.ge [sflag:s4], $0x200  }
0x15: {  	s8 =	simm.s32 @p0 $0x1FCA;
	s5 =	rddreg [dreg:$0x7];
	[sflag:s4] =	ssyncset.done $0x0  }
0x16: {  	s6 =	simm.s32 @p0 $0xA;
	s7 =	rddreg [dreg:$0xa];
	[sflag:s4] =	ssyncadd.s32 $0xFFFFFE00  }
0x17: {  	[spmem:s7], [sflag:s8] =	dma.local @p0 [hbm:s5], $0x280  }
0x18: {  	_ =	swait.ge @p0 [sflag:s6], $0x280  }
0x19: {  	s5 =	rddreg [dreg:$0x9]  }
0x1a: {  	s8 =	rddreg [dreg:$0x6];
	[sflag:s6] =	ssyncset.done @p0 $0x0  }
0x1b: {  	s7 =	simm.s32 @!p0 $0xA;
	s10 =	rddreg [dreg:$0x8];
	[sflag:s6] =	ssyncadd.s32 @p0 $0xFFFFFD80  }
0x1c: {  	[spmem:s5], [sflag:s10] =	dma.local @!p0 [hbm:s8], $0x400  }
0x1d: {  	_ =	swait.ge @!p0 [sflag:s7], $0x400  }
0x1e: {  	[sflag:s7] =	ssyncset.done @!p0 $0x0  }
0x1f: {  	[sflag:s7] =	ssyncadd.s32 @!p0 $0xFFFFFC00  }
0x20: {  	s26 =	simm.s32 $0x200;
	s8 =	simm.s32 $0x40;
	[bflag:$0x0] =	sbarrier.arrive $0xFFFF  }
0x21: {  	[tilespmem:s26], [sflag:$0x1] =	stream.indirect.gather [spmem:s2], $0x80, s3, s8, $0xb8;
	[tilespmem:$0x12140] =	vst v63  }
0x22: {  	s11 =	simm.s32 $0x2200  }
0x23: {  	[tilespmem:s11], [sflag:$0x2] =	stream.indirect.gather [spmem:s2], $0x80, s8, s8, $0xb8;
	[tilespmem:$0x12140] =	vst v63  }
0x24: {  	s12 =	simm.s32 $0x4200;
	s20 =	rddreg [dreg:$0xb]  }
0x25: {  	[tilespmem:s12], [sflag:$0x3] =	stream.indirect.gather [spmem:s2], $0x80, s20, s8, $0xb8;
	[tilespmem:$0x12140] =	vst v63  }
0x26: {  	s14 =	simm.s32 $0x6200;
	s13 =	rddreg [dreg:$0xc]  }
0x27: {  	[tilespmem:s14], [sflag:$0x4] =	stream.indirect.gather [spmem:s2], $0x80, s13, s8, $0xb8;
	[tilespmem:$0x12140] =	vst v63  }
0x28: {  	s21 =	rddreg [dreg:$0xd];
	s13 =	simm.s32 $0x8200  }
0x29: {  	[tilespmem:s13], [sflag:$0x5] =	stream.indirect.gather [spmem:s2], $0x80, s21, s8, $0xb8;
	[tilespmem:$0x12140] =	vst v63  }
0x2a: {  	s16 =	simm.s32 $0xA200;
	s15 =	rddreg [dreg:$0xe]  }
0x2b: {  	[tilespmem:s16], [sflag:$0x6] =	stream.indirect.gather [spmem:s2], $0x80, s15, s8, $0xb8;
	[tilespmem:$0x12140] =	vst v63  }
0x2c: {  	s23 =	simm.s32 $0xC200;
	s22 =	rddreg [dreg:$0xf]  }
0x2d: {  	[tilespmem:s23], [sflag:$0x7] =	stream.indirect.gather [spmem:s2], $0x80, s22, s8, $0xb8;
	[tilespmem:$0x12140] =	vst v63  }
0x2e: {  	s17 =	simm.s32 $0x1;
	s18 =	rddreg [dreg:$0x10];
	s21 =	simm.s32 $0xE200  }
0x2f: {  	[tilespmem:s21], [sflag:$0x8] =	stream.indirect.gather [spmem:s2], $0x80, s18, s8, $0xb8;
	[tilespmem:$0x12140] =	vst v63  }
0x30: {  	_ =	swait.ge [sflag:s17], $0x2000  }
0x31: {  	s1 =	sshll.u32 s1, $0xD;
	[sflag:s17] =	ssyncset.done $0x0  }
0x32: {  	s19 =	simm.s32 $0x2;
	s0 =	sadd.s32 s0, s1;
	[sflag:s17] =	ssyncadd.s32 $0xFFFFE000  }
0x33: {  	[hbm4b:s0+s3] =	stream.linear.scatter [tilespmem:s26], [sflag:$0x9], $0x2000, $0x38;
	[tilespmem:$0x12140] =	vst v63  }
0x34: {  	_ =	swait.ge [sflag:s19], $0x2000  }
0x35: {  	s1 =	sadd.s32 $0x400, s0;
	[sflag:s19] =	ssyncset.done $0x0  }
0x36: {  	s20 =	simm.s32 $0x3;
	[dreg:$0x11] =	wrdreg s1;
	[sflag:s19] =	ssyncadd.s32 $0xFFFFE000  }
0x37: {  	[hbm4b:s1+s3] =	stream.linear.scatter [tilespmem:s11], [sflag:$0x9], $0x2000, $0x38;
	[tilespmem:$0x12140] =	vst v63  }
0x38: {  	_ =	swait.ge [sflag:s20], $0x2000  }
0x39: {  	s18 =	sadd.s32 $0x800, s0;
	[sflag:s20] =	ssyncset.done $0x0  }
0x3a: {  	s22 =	simm.s32 $0x4;
	[dreg:$0x12] =	wrdreg s18;
	[sflag:s20] =	ssyncadd.s32 $0xFFFFE000  }
0x3b: {  	[hbm4b:s18+s3] =	stream.linear.scatter [tilespmem:s12], [sflag:$0x9], $0x2000, $0x38;
	[tilespmem:$0x12140] =	vst v63  }
0x3c: {  	_ =	swait.ge [sflag:s22], $0x2000  }
0x3d: {  	[sflag:s22] =	ssyncset.done $0x0  }
0x3e: {  	s25 =	simm.s32 $0x5;
	s24 =	sadd.s32 $0xC00, s0;
	[sflag:s22] =	ssyncadd.s32 $0xFFFFE000  }
0x3f: {  	[hbm4b:s24+s3] =	stream.linear.scatter [tilespmem:s14], [sflag:$0x9], $0x2000, $0x38;
	[tilespmem:$0x12140] =	vst v63  }
0x40: {  	_ =	swait.ge [sflag:s25], $0x2000  }
0x41: {  	[sflag:s25] =	ssyncset.done $0x0  }
0x42: {  	s28 =	simm.s32 $0x6;
	s26 =	sadd.s32 $0x1000, s0;
	[sflag:s25] =	ssyncadd.s32 $0xFFFFE000  }
0x43: {  	[hbm4b:s26+s3] =	stream.linear.scatter [tilespmem:s13], [sflag:$0x9], $0x2000, $0x38;
	[tilespmem:$0x12140] =	vst v63  }
0x44: {  	_ =	swait.ge [sflag:s28], $0x2000  }
0x45: {  	[sflag:s28] =	ssyncset.done $0x0  }
0x46: {  	s30 =	simm.s32 $0x7;
	s29 =	sadd.s32 $0x1400, s0;
	[sflag:s28] =	ssyncadd.s32 $0xFFFFE000  }
0x47: {  	[hbm4b:s29+s3] =	stream.linear.scatter [tilespmem:s16], [sflag:$0x9], $0x2000, $0x38;
	[tilespmem:$0x12140] =	vst v63  }
0x48: {  	_ =	swait.ge [sflag:s30], $0x2000  }
0x49: {  	[sflag:s30] =	ssyncset.done $0x0  }
0x4a: {  	s31 =	sadd.s32 $0x1800, s0;
	s1 =	simm.s32 $0x8;
	[sflag:s30] =	ssyncadd.s32 $0xFFFFE000  }
0x4b: {  	[hbm4b:s31+s3] =	stream.linear.scatter [tilespmem:s23], [sflag:$0x9], $0x2000, $0x38;
	[tilespmem:$0x12140] =	vst v63  }
0x4c: {  	_ =	swait.ge [sflag:s1], $0x2000  }
0x4d: {  	s5 =	sadd.s32 $0x1C00, s0;
	[sflag:s1] =	ssyncset.done $0x0  }
0x4e: {  	s23 =	smov.u32 s0;
	s0 =	simm.s32 $0x9;
	[sflag:s1] =	ssyncadd.s32 $0xFFFFE000  }
0x4f: {  	[hbm4b:s5+s3] =	stream.linear.scatter [tilespmem:s21], [sflag:$0x9], $0x2000, $0x38;
	[tilespmem:$0x12140] =	vst v63  }
0x50: {  	_ =	swait.ge [sflag:s0], $0x2000  }
0x51: {  	[sflag:s0] =	ssyncset.done $0x0  }
0x52: {  	[sflag:s0] =	ssyncadd.s32 $0xFFFFE000  }
0x53: {  	_ =	swait.ge [sflag:s0], $0x2000  }
0x54: {  	[sflag:s0] =	ssyncset.done $0x0  }
0x55: {  	[sflag:s0] =	ssyncadd.s32 $0xFFFFE000  }
0x56: {  	_ =	swait.ge [sflag:s0], $0x2000  }
0x57: {  	[sflag:s0] =	ssyncset.done $0x0  }
0x58: {  	s21 =	ssub.s32 $0x2, s9;
	[sflag:s0] =	ssyncadd.s32 $0xFFFFE000  }
0x59: {  	s9 =	sshrl.u32 s21, $0x1;
	_ =	swait.ge [sflag:s0], $0x2000  }
0x5a: {  	s9 =	ssub.s32 s21, s9;
	[sflag:s0] =	ssyncset.done $0x0  }
0x5b: {  	s9 =	smax.u32 s9, $0x1;
	[sflag:s0] =	ssyncadd.s32 $0xFFFFE000  }
0x5c: {  	s9 =	sadd.s32 $0xFFFFFFFF, s9;
	_ =	swait.ge [sflag:s0], $0x2000  }
0x5d: {  	p1 =	sne.s32 s9, $0x0;
	[sflag:s0] =	ssyncset.done $0x0  }
.Ltmp0:
0x5e: {  	[sflag:s0] =	ssyncadd.s32 $0xFFFFE000;
	(pc) =	sbr.rel @!p1 .LBB2_3-.Ltmp0, $4  }
0x5f: {  	_ =	swait.ge [sflag:s0], $0x2000  }
0x60: {  	[sflag:s0] =	ssyncset.done $0x0  }
0x61: {  	[sflag:s0] =	ssyncadd.s32 $0xFFFFE000  }
0x62: {  	_ =	swait.ge [sflag:s0], $0x2000  }
0x63: {  	s13 =	simm.s32 $0x2200;
	s14 =	simm.s32 $0x4200;
	s15 =	simm.s32 $0x6200  }
0x64: {  	s16 =	simm.s32 $0x8200;
	s18 =	simm.s32 $0xA200;
	s21 =	simm.s32 $0xC200  }
.LBB2_2:
0x65: {  	[sflag:s0] =	ssyncset.done $0x0  }
0x66: {  	[sflag:s0] =	ssyncadd.s32 $0xFFFFE000  }
0x67: {  	_ =	swait.ge [sflag:s0], $0x2000  }
0x68: {  	[sflag:s0] =	ssyncset.done $0x0  }
0x69: {  	s10 =	rddreg [dreg:$0x5];
	[sflag:s0] =	ssyncadd.s32 $0xFFFFE000  }
0x6a: {  	[tilespmem:s3], [sflag:$0xA] =	stream.linear.gather [hbm4b:s10+s3], $0x200, $0x38;
	[tilespmem:$0x12140] =	vst v63  }
0x6b: {  	_ =	swait.ge [sflag:s4], $0x200  }
0x6c: {  	[sflag:s4] =	ssyncset.done $0x0;
	s10 =	rddreg [dreg:$0x7]  }
0x6d: {  	s12 =	simm.s32 @p0 $0x1FCA;
	s11 =	rddreg [dreg:$0xa];
	[sflag:s4] =	ssyncadd.s32 $0xFFFFFE00  }
0x6e: {  	[spmem:s11], [sflag:s12] =	dma.local @p0 [hbm:s10], $0x280  }
0x6f: {  	_ =	swait.ge @p0 [sflag:s6], $0x280  }
0x70: {  	s10 =	rddreg [dreg:$0x9]  }
0x71: {  	[sflag:s6] =	ssyncset.done @p0 $0x0;
	s11 =	rddreg [dreg:$0x6]  }
0x72: {  	s12 =	rddreg [dreg:$0x8];
	[sflag:s6] =	ssyncadd.s32 @p0 $0xFFFFFD80  }
0x73: {  	[spmem:s10], [sflag:s12] =	dma.local @!p0 [hbm:s11], $0x400  }
0x74: {  	_ =	swait.ge @!p0 [sflag:s7], $0x400  }
0x75: {  	[sflag:s7] =	ssyncset.done @!p0 $0x0  }
0x76: {  	[sflag:s7] =	ssyncadd.s32 @!p0 $0xFFFFFC00  }
0x77: {  	s12 =	simm.s32 $0x200;
	[bflag:$0x0] =	sbarrier.arrive $0xFFFF  }
0x78: {  	[tilespmem:s12], [sflag:$0x1] =	stream.indirect.gather [spmem:s2], $0x80, s3, s8, $0xb8;
	[tilespmem:$0x12140] =	vst v63  }
0x79: {  	_ = 	snop  }
0x7a: {  	[tilespmem:s13], [sflag:$0x2] =	stream.indirect.gather [spmem:s2], $0x80, s8, s8, $0xb8;
	[tilespmem:$0x12140] =	vst v63  }
0x7b: {  	s10 =	rddreg [dreg:$0xb]  }
0x7c: {  	[tilespmem:s14], [sflag:$0x3] =	stream.indirect.gather [spmem:s2], $0x80, s10, s8, $0xb8;
	[tilespmem:$0x12140] =	vst v63  }
0x7d: {  	s11 =	rddreg [dreg:$0xc]  }
0x7e: {  	[tilespmem:s15], [sflag:$0x4] =	stream.indirect.gather [spmem:s2], $0x80, s11, s8, $0xb8;
	[tilespmem:$0x12140] =	vst v63  }
0x7f: {  	s10 =	rddreg [dreg:$0xd]  }
0x80: {  	[tilespmem:s16], [sflag:$0x5] =	stream.indirect.gather [spmem:s2], $0x80, s10, s8, $0xb8;
	[tilespmem:$0x12140] =	vst v63  }
0x81: {  	s11 =	rddreg [dreg:$0xe]  }
0x82: {  	[tilespmem:s18], [sflag:$0x6] =	stream.indirect.gather [spmem:s2], $0x80, s11, s8, $0xb8;
	[tilespmem:$0x12140] =	vst v63  }
0x83: {  	s10 =	rddreg [dreg:$0xf]  }
0x84: {  	[tilespmem:s21], [sflag:$0x7] =	stream.indirect.gather [spmem:s2], $0x80, s10, s8, $0xb8;
	[tilespmem:$0x12140] =	vst v63  }
0x85: {  	s11 =	rddreg [dreg:$0x10];
	s10 =	simm.s32 $0xE200  }
0x86: {  	[tilespmem:s10], [sflag:$0x8] =	stream.indirect.gather [spmem:s2], $0x80, s11, s8, $0xb8;
	[tilespmem:$0x12140] =	vst v63  }
0x87: {  	_ =	swait.ge [sflag:s17], $0x2000  }
0x88: {  	[sflag:s17] =	ssyncset.done $0x0  }
0x89: {  	[sflag:s17] =	ssyncadd.s32 $0xFFFFE000  }
0x8a: {  	[hbm4b:s23+s3] =	stream.linear.scatter [tilespmem:s12], [sflag:$0x9], $0x2000, $0x38;
	[tilespmem:$0x12140] =	vst v63  }
0x8b: {  	_ =	swait.ge [sflag:s19], $0x2000  }
0x8c: {  	[sflag:s19] =	ssyncset.done $0x0  }
0x8d: {  	s12 =	rddreg [dreg:$0x11];
	[sflag:s19] =	ssyncadd.s32 $0xFFFFE000  }
0x8e: {  	[hbm4b:s12+s3] =	stream.linear.scatter [tilespmem:s13], [sflag:$0x9], $0x2000, $0x38;
	[tilespmem:$0x12140] =	vst v63  }
0x8f: {  	_ =	swait.ge [sflag:s20], $0x2000  }
0x90: {  	[sflag:s20] =	ssyncset.done $0x0  }
0x91: {  	s12 =	rddreg [dreg:$0x12];
	[sflag:s20] =	ssyncadd.s32 $0xFFFFE000  }
0x92: {  	[hbm4b:s12+s3] =	stream.linear.scatter [tilespmem:s14], [sflag:$0x9], $0x2000, $0x38;
	[tilespmem:$0x12140] =	vst v63  }
0x93: {  	_ =	swait.ge [sflag:s22], $0x2000  }
0x94: {  	[sflag:s22] =	ssyncset.done $0x0  }
0x95: {  	[sflag:s22] =	ssyncadd.s32 $0xFFFFE000  }
0x96: {  	[hbm4b:s24+s3] =	stream.linear.scatter [tilespmem:s15], [sflag:$0x9], $0x2000, $0x38;
	[tilespmem:$0x12140] =	vst v63  }
0x97: {  	_ =	swait.ge [sflag:s25], $0x2000  }
0x98: {  	[sflag:s25] =	ssyncset.done $0x0  }
0x99: {  	[sflag:s25] =	ssyncadd.s32 $0xFFFFE000  }
0x9a: {  	[hbm4b:s26+s3] =	stream.linear.scatter [tilespmem:s16], [sflag:$0x9], $0x2000, $0x38;
	[tilespmem:$0x12140] =	vst v63  }
0x9b: {  	_ =	swait.ge [sflag:s28], $0x2000  }
0x9c: {  	[sflag:s28] =	ssyncset.done $0x0  }
0x9d: {  	[sflag:s28] =	ssyncadd.s32 $0xFFFFE000  }
0x9e: {  	[hbm4b:s29+s3] =	stream.linear.scatter [tilespmem:s18], [sflag:$0x9], $0x2000, $0x38;
	[tilespmem:$0x12140] =	vst v63  }
0x9f: {  	_ =	swait.ge [sflag:s30], $0x2000  }
0xa0: {  	[sflag:s30] =	ssyncset.done $0x0  }
0xa1: {  	[sflag:s30] =	ssyncadd.s32 $0xFFFFE000  }
0xa2: {  	[hbm4b:s31+s3] =	stream.linear.scatter [tilespmem:s21], [sflag:$0x9], $0x2000, $0x38;
	[tilespmem:$0x12140] =	vst v63  }
0xa3: {  	_ =	swait.ge [sflag:s1], $0x2000  }
0xa4: {  	[sflag:s1] =	ssyncset.done $0x0  }
0xa5: {  	[sflag:s1] =	ssyncadd.s32 $0xFFFFE000  }
0xa6: {  	[hbm4b:s5+s3] =	stream.linear.scatter [tilespmem:s10], [sflag:$0x9], $0x2000, $0x38;
	[tilespmem:$0x12140] =	vst v63  }
0xa7: {  	_ =	swait.ge [sflag:s0], $0x2000  }
0xa8: {  	[sflag:s0] =	ssyncset.done $0x0  }
0xa9: {  	[sflag:s0] =	ssyncadd.s32 $0xFFFFE000  }
0xaa: {  	_ =	swait.ge [sflag:s0], $0x2000  }
0xab: {  	[sflag:s0] =	ssyncset.done $0x0  }
0xac: {  	[sflag:s0] =	ssyncadd.s32 $0xFFFFE000  }
0xad: {  	_ =	swait.ge [sflag:s0], $0x2000  }
0xae: {  	[sflag:s0] =	ssyncset.done $0x0  }
0xaf: {  	[sflag:s0] =	ssyncadd.s32 $0xFFFFE000  }
0xb0: {  	_ =	swait.ge [sflag:s0], $0x2000  }
0xb1: {  	[sflag:s0] =	ssyncset.done $0x0  }
0xb2: {  	[sflag:s0] =	ssyncadd.s32 $0xFFFFE000  }
0xb3: {  	s9 =	sadd.s32 $0xFFFFFFFF, s9;
	_ =	swait.ge [sflag:s0], $0x2000  }
0xb4: {  	p1 =	sne.s32 s9, $0x0;
	[sflag:s0] =	ssyncset.done $0x0  }
.Ltmp1:
0xb5: {  	[sflag:s0] =	ssyncadd.s32 $0xFFFFE000;
	(pc) =	sbr.rel @p1 .LBB2_2-.Ltmp1, $4  }
0xb6: {  	_ =	swait.ge [sflag:s0], $0x2000  }
0xb7: {  	[sflag:s0] =	ssyncset.done $0x0  }
0xb8: {  	[sflag:s0] =	ssyncadd.s32 $0xFFFFE000  }
0xb9: {  	_ =	swait.ge [sflag:s0], $0x2000  }
.LBB2_3:
0xba: {  	[sflag:s0] =	ssyncset.done $0x0  }
0xbb: {  	[sflag:s0] =	ssyncadd.s32 $0xFFFFE000  }
0xbc: {  	_ =	swait.ge [sflag:s0], $0x2000  }
0xbd: {  	[sflag:s0] =	ssyncset.done $0x0  }
0xbe: {  	[sflag:s0] =	ssyncadd.s32 $0xFFFFE000  }
0xbf: {  	_ =	sfence.sel $0x180000  }
0xc0: {  	[bflag:$0x0] =	sbarrier.arrive $0xFFFF  }
0xc1: {  	_ =	strace $0x90000047  }
0xc2: {  	s31 =	stileid.u32;
	[bflag:$0x2] =	sbarrier.arrive $0xFFFF  }
0xc3: {  	p0 =	sne.s32 s31, $0x0;
	s0 =	rddreg [dreg:$0x4]  }
0xc4: {  	s0 =	sadd.s32 @!p0 $0x100000, s0  }
0xc5: {  	[sflag:s0] =	ssyncadd.tile.s32 @!p0 $0x1;
	_ =	shalt  }
.Lfunc_end2:
_tile_overlayer_lowered:
.L_overlay_start_2:
0xc6: {  	(tag) =	ssettag $0x2  }
0xc7: {  	s0 =	rddreg [dreg:$0x0];
	s2 =	stileid.u32  }
0xc8: {  	s1 =	rddreg [dreg:$0x1];
	p0 =	sne.s32 s2, $0x0  }
0xc9: {  	s3 =	rddreg [dreg:$0x2];
	[bflag:$0x3] =	sbarrier.arrive $0xFFFF;
	s2 =	simm.s32 @!p0 $0x1C0A  }
0xca: {  	[timem:s3], [sflag:s2] =	dma.local @!p0 [hbm:s0], s1  }
0xcb: {  	s0 =	simm.s32 @!p0 $0xA  }
0xcc: {  	_ =	swait.ge @!p0 [sflag:s0], s1  }
0xcd: {  	s1 =	ssub.s32 @!p0 $0x0, s1;
	[sflag:s0] =	ssyncset.done @!p0 $0x0  }
0xce: {  	[sflag:s0] =	ssyncadd.s32 @!p0 s1  }
0xcf: {  	[bflag:$0x3] =	sbarrier.arrive $0xFFFF  }
0xd0: {  	_ =	shalt  }

</sc_bundles>
